<compile_context>
chip_gen: v7x
topology: tpu7x:2x2x1
jax: 0.10.2.dev20260603
libtpu: 0.0.44.dev20260713+nightly
codegen_flags: <defaults>
</compile_context>

<pallas_src>
import functools

import jax
import jax.numpy as jnp
from jax import lax
from jax.experimental import pallas as pl
from jax.experimental.pallas import tpu as pltpu
from jax.experimental.pallas import tpu_sc as plsc

Q = 1024
K = 100000
D = 128
TOPK = 32
KBLK = 2048
KPAD = 100352
NBLK = KPAD // KBLK
C = 128
NCHUNK = KPAD // C
CBLK = KBLK // C
NEG = -3.0e38

NW = 32
QPW = Q // NW
CAND = TOPK * C
NSEG = CAND // 256


def _sim_body(q_ref, k_ref, sim_ref, cmax_ref, qn_ref):
    i = pl.program_id(0)

    @pl.when(i == 0)
    def _():
        qb = q_ref[...]
        qn_ref[...] = qb / jnp.sqrt(
            jnp.sum(qb * qb, axis=-1, keepdims=True))

    kb = k_ref[...]
    kn = kb / jnp.sqrt(jnp.sum(kb * kb, axis=-1, keepdims=True))
    s = jnp.dot(qn_ref[...], kn.T, preferred_element_type=jnp.float32)
    gcol = i * KBLK + jax.lax.broadcasted_iota(jnp.int32, (Q, KBLK), 1)
    s = jnp.where(gcol < K, s, NEG)
    sim_ref[...] = s
    cmax_ref[...] = jnp.max(s.reshape(Q, CBLK, C), axis=-1)[None]


def _vmax(x):
    return jnp.sort(x)[15]


def _ffs(mask):
    return plsc.all_reduce_ffs(mask)[0]


def _pcnt(mask):
    return plsc.all_reduce_population_count(mask)[0]


def _sc_topk_body(table_hbm, fidx_hbm, tv_hbm, ti_hbm,
                  fid_v, idx_q, xbuf, m1, tvall, tiall, sem):
    wid = lax.axis_index("s") * 2 + lax.axis_index("c")
    pltpu.sync_copy(fidx_hbm.at[pl.ds(wid * QPW, QPW)], fid_v)
    iota = lax.iota(jnp.int32, 16)
    negv = jnp.full((16,), NEG, jnp.float32)

    idx_q[0, pl.ds(0, 16)] = fid_v[0, pl.ds(0, 16)]
    idx_q[0, pl.ds(16, 16)] = fid_v[0, pl.ds(16, 16)]
    pltpu.async_copy(table_hbm.at[idx_q.at[0]], xbuf.at[0], sem)

    def per_query(q, carry):
        qglob = wid * QPW + q
        b = q % 2
        nb = 1 - b
        pltpu.make_async_copy(
            table_hbm.at[idx_q.at[b]], xbuf.at[b], sem).wait()

        @pl.when(q < QPW - 1)
        def _():
            idx_q[nb, pl.ds(0, 16)] = fid_v[q + 1, pl.ds(0, 16)]
            idx_q[nb, pl.ds(16, 16)] = fid_v[q + 1, pl.ds(16, 16)]
            pltpu.async_copy(table_hbm.at[idx_q.at[nb]], xbuf.at[nb], sem)

        bs = jnp.broadcast_to(b, (16,)).astype(jnp.int32)

        def seg_max(jj, c2):
            macc = negv
            for v in range(16):
                macc = jnp.maximum(
                    macc, xbuf[b, jj * 2 + v // 8, pl.ds((v % 8) * 16, 16)])
            m1[pl.ds(jj * 16, 16)] = macc
            return c2

        lax.fori_loop(0, NSEG, seg_max, 0)

        m2_0 = m1[pl.ds(0, 16)]
        for jj in range(1, NSEG):
            m2_0 = jnp.maximum(m2_0, m1[pl.ds(jj * 16, 16)])

        qs = jnp.broadcast_to(q, (16,)).astype(jnp.int32)

        def rnd(r, m2):
            gmax = _vmax(m2)
            meq = m2 == gmax
            lstar = _ffs(meq)
            m1g = plsc.load_gather(m1, [iota * 16 + lstar])
            jeq = m1g == gmax
            jstar = _ffs(jeq)
            pvec = (jstar * 16 + iota) * 16 + lstar
            segv = plsc.load_gather(xbuf, [bs, pvec // C, pvec % C])
            veq = segv == gmax
            vstar = _ffs(veq)
            unique = ((_pcnt(meq) == 1) & (_pcnt(jeq) == 1)
                      & (_pcnt(veq) == 1))

            def fast_p():
                return (jstar * 16 + vstar) * 16 + lstar

            def slow_p():
                def body(t, best):
                    vec = xbuf[b, t // 8, pl.ds((t % 8) * 16, 16)]
                    m = vec == gmax
                    fidt = plsc.load_gather(
                        fid_v, [qs, jnp.broadcast_to(t // 8, (16,))])[0]
                    cnk = fidt - qglob * NCHUNK
                    g_t = cnk * C + (t % 8) * 16 + _ffs(m)
                    pos_t = (t // 8) * C + (t % 8) * 16 + _ffs(m)
                    has = _pcnt(m) > 0
                    bg, bp = best
                    better = has & (g_t < bg)
                    return (jnp.where(better, g_t, bg),
                            jnp.where(better, pos_t, bp))

                _, bp = lax.fori_loop(
                    0, CAND // 16, body,
                    (jnp.int32(2**30), jnp.int32(0)))
                return bp

            p = lax.cond(unique, fast_p, slow_p)
            row = p // C
            col = p % C
            t2 = p // 16
            jj2 = t2 // 16
            v2 = t2 % 16
            lane2 = p % 16
            fid = plsc.load_gather(
                fid_v, [qs, jnp.broadcast_to(row, (16,))])[0]
            gi = (fid - qglob * NCHUNK) * C + col
            rhi = (r // 16) * 16
            rlo = r % 16
            tvall[q, pl.ds(rhi, 16)] = jnp.where(
                iota == rlo, gmax, tvall[q, pl.ds(rhi, 16)])
            tiall[q, pl.ds(rhi, 16)] = jnp.where(
                iota == rlo, gi, tiall[q, pl.ds(rhi, 16)])
            pvec2 = (jj2 * 16 + iota) * 16 + lane2
            rowv2 = pvec2 // C
            colv2 = pvec2 % C
            segv2 = plsc.load_gather(xbuf, [bs, rowv2, colv2])
            plsc.store_scatter(xbuf, [bs, rowv2, colv2], negv,
                               mask=iota == v2)
            nsm = _vmax(jnp.where(iota == v2, NEG, segv2))
            m1[pl.ds(jj2 * 16, 16)] = jnp.where(
                iota == lane2, nsm, m1[pl.ds(jj2 * 16, 16)])
            m1g2 = plsc.load_gather(m1, [iota * 16 + lane2])
            return jnp.where(iota == lane2, _vmax(m1g2), m2)

        lax.fori_loop(0, TOPK, rnd, m2_0)
        return carry

    lax.fori_loop(0, QPW, per_query, 0)
    pltpu.sync_copy(tvall, tv_hbm.at[pl.ds(wid * QPW, QPW)])
    pltpu.sync_copy(tiall, ti_hbm.at[pl.ds(wid * QPW, QPW)])


def _sc_topk(table, fidx):
    mesh = plsc.VectorSubcoreMesh(core_axis_name="c", subcore_axis_name="s")
    gk = functools.partial(
        pl.kernel, mesh=mesh,
        out_type=[
            jax.ShapeDtypeStruct((Q, TOPK), jnp.float32),
            jax.ShapeDtypeStruct((Q, TOPK), jnp.int32),
        ],
        scratch_types=[
            pltpu.VMEM((QPW, TOPK), jnp.int32),
            pltpu.VMEM((2, TOPK), jnp.int32),
            pltpu.VMEM((2, TOPK, C), jnp.float32),
            pltpu.VMEM((NSEG * 16,), jnp.float32),
            pltpu.VMEM((QPW, TOPK), jnp.float32),
            pltpu.VMEM((QPW, TOPK), jnp.int32),
            pltpu.SemaphoreType.DMA,
        ],
        compiler_params=pltpu.CompilerParams(needs_layout_passes=False),
    )(_sc_topk_body)
    return gk(table, fidx)


QB = 256


def _chunk_topk_body(cmax_ref, fidx_ref):
    x = cmax_ref[...]
    cidx = jax.lax.broadcasted_iota(jnp.int32, (QB, NCHUNK), 1)
    qidx = (pl.program_id(0) * QB
            + jax.lax.broadcasted_iota(jnp.int32, (QB, 1), 0))
    picks = []
    for _ in range(TOPK):
        m = jnp.max(x, axis=-1, keepdims=True)
        sel = jnp.where(x == m, cidx, jnp.int32(2**30))
        am = jnp.min(sel, axis=-1, keepdims=True)
        picks.append(am)
        x = jnp.where(cidx == am, NEG, x)
    fidx_ref[...] = jnp.concatenate(picks, axis=-1) + qidx * NCHUNK


def kernel(queries, keys):
    pad = KPAD - K
    keys_p = jnp.concatenate(
        [keys, jnp.ones((pad, D), jnp.float32)], axis=0)

    sim, cmax = pl.pallas_call(
        _sim_body,
        grid=(NBLK,),
        in_specs=[
            pl.BlockSpec((Q, D), lambda i: (0, 0)),
            pl.BlockSpec((KBLK, D), lambda i: (i, 0)),
        ],
        out_specs=[
            pl.BlockSpec((Q, KBLK), lambda i: (0, i)),
            pl.BlockSpec((1, Q, CBLK), lambda i: (i, 0, 0)),
        ],
        out_shape=[
            jax.ShapeDtypeStruct((Q, KPAD), jnp.float32),
            jax.ShapeDtypeStruct((NBLK, Q, CBLK), jnp.float32),
        ],
        scratch_shapes=[pltpu.VMEM((Q, D), jnp.float32)],
    )(queries, keys_p)
    cmax = cmax.transpose(1, 0, 2).reshape(Q, NCHUNK)
    fidx = pl.pallas_call(
        _chunk_topk_body,
        grid=(Q // QB,),
        in_specs=[pl.BlockSpec((QB, NCHUNK), lambda i: (i, 0))],
        out_specs=pl.BlockSpec((QB, TOPK), lambda i: (i, 0)),
        out_shape=jax.ShapeDtypeStruct((Q, TOPK), jnp.int32),
    )(cmax)

    tv, ti = _sc_topk(sim.reshape(Q * NCHUNK, C), fidx)
    return tv, ti

# --- scband reference (transcript-rebuilt; emitter-appended) ---
"""Pipeline reference for scband-interrogator-29755533426864 (READ-ONLY COPY).

The authoritative reference and input builder live on the scoring server;
editing this copy changes nothing except your own understanding.
"""

import jax, jax.numpy as jnp
import numpy as np

TOP_COUNT = 32

def setup_inputs(seed: int = 0) -> dict:
    key = jax.random.key(seed)
    k1, k2 = jax.random.split(key)
    queries = jax.random.normal(k1, (1024, 128), dtype=jnp.float32)
    keys = jax.random.normal(k2, (100000, 128), dtype=jnp.float32)
    return {"queries": queries, "keys": keys}

def reference(queries, keys):
    # Faithful to LabelTable._rank: both image features and text embeds are
    # L2-normalized, similarity = image_features @ text_embeds.T, then topk.
    q = queries / jnp.linalg.norm(queries, axis=-1, keepdims=True)
    k = keys / jnp.linalg.norm(keys, axis=-1, keepdims=True)
    similarity = q @ k.T  # [Q, K]
    top_vals, top_idx = jax.lax.top_k(similarity, TOP_COUNT)
    return top_vals, top_idx

if __name__ == "__main__":
    import jax
    _d = setup_inputs()
    print(jax.jit(kernel)(*tuple(_d.values())))

</pallas_src>

<mosaic_0001>
#map = affine_map<(d0, d1) -> (0, 0)>
module attributes {stable_mosaic.version = 14 : i64} {
  func.func @_sc_topk_body(%arg0: i32, %arg1: i32, %arg2: memref<802816x128xf32, #tpu.memory_space<hbm>>, %arg3: memref<1024x32xi32, #tpu.memory_space<hbm>>, %arg4: memref<1024x32xf32, #tpu.memory_space<hbm>>, %arg5: memref<1024x32xi32, #tpu.memory_space<hbm>>, %arg6: memref<32x32xi32, #tpu.memory_space<vmem>>, %arg7: memref<2x32xi32, #tpu.memory_space<vmem>>, %arg8: memref<2x32x128xf32, #tpu.memory_space<vmem>>, %arg9: memref<256xf32, #tpu.memory_space<vmem>>, %arg10: memref<32x32xf32, #tpu.memory_space<vmem>>, %arg11: memref<32x32xi32, #tpu.memory_space<vmem>>, %arg12: memref<!tpu.dma_semaphore, #tpu.memory_space<semaphore_mem>>) attributes {dimension_semantics = [#tpu.dimension_semantics<core_parallel>, #tpu.dimension_semantics<subcore_parallel>], iteration_bounds = array<i64: 2, 16>, scalar_prefetch = 0 : i64, scratch_operands = 7 : i64, tpu.core_type = #tpu.core_type<sc_vector_subcore>, window_params = [{transform_indices = #map}, {transform_indices = #map}, {transform_indices = #map}, {transform_indices = #map}]} {
    %mul3A = arith.constant 2 : i32
    %mul3A_0 = arith.muli %arg1, %mul3A : i32
    %add3A = arith.addi %mul3A_0, %arg0 : i32
    %mul3A_1 = arith.constant 32 : i32
    %mul3A_2 = arith.muli %add3A, %mul3A_1 : i32
    "tpu.region"() ({
      %run_scoped3A = tpu.sem_alloc : memref<!tpu.dma_semaphore, #tpu.memory_space<semaphore_mem>>
      %dma_start3A_38 = arith.constant 0 : i32
      %dma_start3A_39 = tpu.memref_slice %arg3[%mul3A_2, %dma_start3A_38] : memref<1024x32xi32, #tpu.memory_space<hbm>> -> memref<32x32xi32, #tpu.memory_space<hbm>>
      %dma_start3A_40 = arith.constant 0 : i32
      %dma_start3A_41 = tpu.memref_slice %arg3[%mul3A_2, %dma_start3A_40] : memref<1024x32xi32, #tpu.memory_space<hbm>> -> memref<32x32xi32, #tpu.memory_space<hbm>>
      tpu.enqueue_dma source(%dma_start3A_41 : memref<32x32xi32, #tpu.memory_space<hbm>>) target(%arg6 : memref<32x32xi32, #tpu.memory_space<vmem>>) target_semaphore(%run_scoped3A : memref<!tpu.dma_semaphore, #tpu.memory_space<semaphore_mem>>)
      %dma_wait3A = arith.constant 0 : i32
      %dma_wait3A_42 = tpu.memref_slice %arg3[%mul3A_2, %dma_wait3A] : memref<1024x32xi32, #tpu.memory_space<hbm>> -> memref<32x32xi32, #tpu.memory_space<hbm>>
      %dma_wait3A_43 = arith.constant 0 : i32
      %dma_wait3A_44 = tpu.memref_slice %arg3[%mul3A_2, %dma_wait3A_43] : memref<1024x32xi32, #tpu.memory_space<hbm>> -> memref<32x32xi32, #tpu.memory_space<hbm>>
      tpu.wait_dma2 semaphore(%run_scoped3A : memref<!tpu.dma_semaphore, #tpu.memory_space<semaphore_mem>>) src(%dma_wait3A_44 : memref<32x32xi32, #tpu.memory_space<hbm>>) dst(%arg6 : memref<32x32xi32, #tpu.memory_space<vmem>>)
      tpu.yield
    }) : () -> ()
    %iota3A = tpu.iota {dimensions = array<i32: 0>} : vector<16xi32>
    %broadcast_in_dim3A = arith.constant -3.000000e+38 : f32
    %broadcast_in_dim3A_3 = vector.broadcast %broadcast_in_dim3A : f32 to vector<16xf32>
    %get3A = arith.constant 0 : i32
    %get3A_4 = arith.index_cast %get3A : i32 to index
    %get3A_5 = arith.constant 0 : index
    %get3A_6 = tpu.vector_load %arg6[%get3A_4, %get3A_5] {strides = array<i32>} : memref<32x32xi32, #tpu.memory_space<vmem>>, vector<16xi32>,
    %swap3A = arith.constant 0 : i32
    %swap3A_7 = arith.index_cast %swap3A : i32 to index
    %swap3A_8 = arith.constant 0 : index
    %swap3A_9 = tpu.vector_load %arg7[%swap3A_7, %swap3A_8] {strides = array<i32>} : memref<2x32xi32, #tpu.memory_space<vmem>>, vector<16xi32>,
    tpu.vector_store %arg7[%swap3A_7, %swap3A_8], %get3A_6 {strides = array<i32>} : memref<2x32xi32, #tpu.memory_space<vmem>>, vector<16xi32>,
    %get3A_10 = arith.constant 0 : i32
    %get3A_11 = arith.index_cast %get3A_10 : i32 to index
    %get3A_12 = arith.constant 16 : index
    %get3A_13 = tpu.vector_load %arg6[%get3A_11, %get3A_12] {strides = array<i32>} : memref<32x32xi32, #tpu.memory_space<vmem>>, vector<16xi32>,
    %swap3A_14 = arith.constant 0 : i32
    %swap3A_15 = arith.index_cast %swap3A_14 : i32 to index
    %swap3A_16 = arith.constant 16 : index
    %swap3A_17 = tpu.vector_load %arg7[%swap3A_15, %swap3A_16] {strides = array<i32>} : memref<2x32xi32, #tpu.memory_space<vmem>>, vector<16xi32>,
    tpu.vector_store %arg7[%swap3A_15, %swap3A_16], %get3A_13 {strides = array<i32>} : memref<2x32xi32, #tpu.memory_space<vmem>>, vector<16xi32>,
    %dma_start3A = arith.constant 0 : i32
    %dma_start3A_18 = arith.constant 0 : i32
    %dma_start3A_19 = arith.constant 0 : i32
    %dma_start3A_20 = arith.constant 0 : i32
    %dma_start3A_21 = tpu.memref_slice %arg8[%dma_start3A_18, %dma_start3A_19, %dma_start3A_20] : memref<2x32x128xf32, #tpu.memory_space<vmem>> -> memref<1x32x128xf32, #tpu.memory_space<vmem>>
    %dma_start3A_22 = tpu.memref_squeeze %dma_start3A_21 : memref<1x32x128xf32, #tpu.memory_space<vmem>> -> memref<32x128xf32, #tpu.memory_space<vmem>>
    %dma_start3A_23 = arith.constant 0 : i32
    %dma_start3A_24 = tpu.memref_slice %arg7[%dma_start3A, %dma_start3A_23] : memref<2x32xi32, #tpu.memory_space<vmem>> -> memref<1x32xi32, #tpu.memory_space<vmem>>
    %dma_start3A_25 = tpu.memref_squeeze %dma_start3A_24 : memref<1x32xi32, #tpu.memory_space<vmem>> -> memref<32xi32, #tpu.memory_space<vmem>>
    %dma_start3A_26 = arith.constant 0 : i32
    %dma_start3A_27 = arith.constant 0 : i32
    %dma_start3A_28 = tpu.memref_slice %arg2[%dma_start3A_26, %dma_start3A_27] : memref<802816x128xf32, #tpu.memory_space<hbm>> -> memref<802816x128xf32, #tpu.memory_space<hbm>>
    tpu.enqueue_indirect_dma source(%dma_start3A_28 : memref<802816x128xf32, #tpu.memory_space<hbm>>) target(%dma_start3A_22 : memref<32x128xf32, #tpu.memory_space<vmem>>) offsets(%dma_start3A_25 : memref<32xi32, #tpu.memory_space<vmem>>) semaphore(%arg12 : memref<!tpu.dma_semaphore, #tpu.memory_space<semaphore_mem>>)
    %scan3A = arith.constant 0 : i32
    %scan3A_29 = arith.constant 0 : i32
    %scan3A_30 = arith.constant 32 : i32
    %scan3A_31 = arith.addi %scan3A_29, %scan3A_30 : i32
    %scan3A_32 = arith.constant 1 : i32
    scf.for %scan3A_38 = %scan3A_29 to %scan3A_31 step %scan3A_32  : i32 {
      %mul3A_39 = arith.constant 32 : i32
      %mul3A_40 = arith.muli %add3A, %mul3A_39 : i32
      %add3A_41 = arith.addi %mul3A_40, %scan3A_38 : i32
      %jit3A = arith.constant 2 : i32
      %eq3A = arith.constant 0 : i32
      %eq3A_42 = arith.cmpi eq, %jit3A, %eq3A : i32
      %jit3A_43 = arith.constant 1 : i32
      %select_n3A = arith.select %eq3A_42, %jit3A_43, %jit3A : i32
      %rem3A = arith.remsi %scan3A_38, %select_n3A : i32
      %ne3A = arith.constant 0 : i32
      %ne3A_44 = arith.cmpi ne, %rem3A, %ne3A : i32
      %lt3A = arith.constant 0 : i32
      %lt3A_45 = arith.cmpi slt, %rem3A, %lt3A : i32
      %lt3A_46 = arith.constant 0 : i32
      %lt3A_47 = arith.cmpi slt, %select_n3A, %lt3A_46 : i32
      %ne3A_48 = arith.xori %lt3A_45, %lt3A_47 : i1
      %and3A = arith.andi %ne3A_48, %ne3A_44 : i1
      %add3A_49 = arith.addi %rem3A, %select_n3A : i32
      %select_n3A_50 = arith.select %and3A, %add3A_49, %rem3A : i32
      %sub3A = arith.constant 1 : i32
      %sub3A_51 = arith.subi %sub3A, %select_n3A_50 : i32
      %dma_wait3A = arith.constant 0 : i32
      %dma_wait3A_52 = arith.constant 0 : i32
      %dma_wait3A_53 = tpu.memref_slice %arg8[%select_n3A_50, %dma_wait3A, %dma_wait3A_52] : memref<2x32x128xf32, #tpu.memory_space<vmem>> -> memref<1x32x128xf32, #tpu.memory_space<vmem>>
      %dma_wait3A_54 = tpu.memref_squeeze %dma_wait3A_53 : memref<1x32x128xf32, #tpu.memory_space<vmem>> -> memref<32x128xf32, #tpu.memory_space<vmem>>
      %dma_wait3A_55 = arith.constant 0 : i32
      %dma_wait3A_56 = tpu.memref_slice %arg7[%select_n3A_50, %dma_wait3A_55] : memref<2x32xi32, #tpu.memory_space<vmem>> -> memref<1x32xi32, #tpu.memory_space<vmem>>
      %dma_wait3A_57 = tpu.memref_squeeze %dma_wait3A_56 : memref<1x32xi32, #tpu.memory_space<vmem>> -> memref<32xi32, #tpu.memory_space<vmem>>
      %dma_wait3A_58 = arith.constant 0 : i32
      %dma_wait3A_59 = arith.constant 0 : i32
      %dma_wait3A_60 = tpu.memref_slice %arg2[%dma_wait3A_58, %dma_wait3A_59] : memref<802816x128xf32, #tpu.memory_space<hbm>> -> memref<802816x128xf32, #tpu.memory_space<hbm>>
      tpu.wait_indirect_dma semaphore(%arg12 : memref<!tpu.dma_semaphore, #tpu.memory_space<semaphore_mem>>) src(%dma_wait3A_60 : memref<802816x128xf32, #tpu.memory_space<hbm>>) dst(%dma_wait3A_54 : memref<32x128xf32, #tpu.memory_space<vmem>>)
      %lt3A_61 = arith.constant 31 : i32
      %lt3A_62 = arith.cmpi slt, %scan3A_38, %lt3A_61 : i32
      %convert_element_type3A = arith.extui %lt3A_62 : i1 to i32
      %cond3A = arith.constant 0 : i32
      %cond3A_63 = arith.cmpi ne, %convert_element_type3A, %cond3A : i32
      scf.if %cond3A_63 {
        %add3A_124 = arith.constant 1 : i32
        %add3A_125 = arith.addi %scan3A_38, %add3A_124 : i32
        %get3A_126 = arith.index_cast %add3A_125 : i32 to index
        %get3A_127 = arith.constant 0 : index
        %get3A_128 = tpu.vector_load %arg6[%get3A_126, %get3A_127] {strides = array<i32>} : memref<32x32xi32, #tpu.memory_space<vmem>>, vector<16xi32>,
        %swap3A_129 = arith.index_cast %sub3A_51 : i32 to index
        %swap3A_130 = arith.constant 0 : index
        %swap3A_131 = tpu.vector_load %arg7[%swap3A_129, %swap3A_130] {strides = array<i32>} : memref<2x32xi32, #tpu.memory_space<vmem>>, vector<16xi32>,
        tpu.vector_store %arg7[%swap3A_129, %swap3A_130], %get3A_128 {strides = array<i32>} : memref<2x32xi32, #tpu.memory_space<vmem>>, vector<16xi32>,
        %add3A_132 = arith.constant 1 : i32
        %add3A_133 = arith.addi %scan3A_38, %add3A_132 : i32
        %get3A_134 = arith.index_cast %add3A_133 : i32 to index
        %get3A_135 = arith.constant 16 : index
        %get3A_136 = tpu.vector_load %arg6[%get3A_134, %get3A_135] {strides = array<i32>} : memref<32x32xi32, #tpu.memory_space<vmem>>, vector<16xi32>,
        %swap3A_137 = arith.index_cast %sub3A_51 : i32 to index
        %swap3A_138 = arith.constant 16 : index
        %swap3A_139 = tpu.vector_load %arg7[%swap3A_137, %swap3A_138] {strides = array<i32>} : memref<2x32xi32, #tpu.memory_space<vmem>>, vector<16xi32>,
        tpu.vector_store %arg7[%swap3A_137, %swap3A_138], %get3A_136 {strides = array<i32>} : memref<2x32xi32, #tpu.memory_space<vmem>>, vector<16xi32>,
        %dma_start3A_140 = arith.constant 0 : i32
        %dma_start3A_141 = arith.constant 0 : i32
        %dma_start3A_142 = tpu.memref_slice %arg8[%sub3A_51, %dma_start3A_140, %dma_start3A_141] : memref<2x32x128xf32, #tpu.memory_space<vmem>> -> memref<1x32x128xf32, #tpu.memory_space<vmem>>
        %dma_start3A_143 = tpu.memref_squeeze %dma_start3A_142 : memref<1x32x128xf32, #tpu.memory_space<vmem>> -> memref<32x128xf32, #tpu.memory_space<vmem>>
        %dma_start3A_144 = arith.constant 0 : i32
        %dma_start3A_145 = tpu.memref_slice %arg7[%sub3A_51, %dma_start3A_144] : memref<2x32xi32, #tpu.memory_space<vmem>> -> memref<1x32xi32, #tpu.memory_space<vmem>>
        %dma_start3A_146 = tpu.memref_squeeze %dma_start3A_145 : memref<1x32xi32, #tpu.memory_space<vmem>> -> memref<32xi32, #tpu.memory_space<vmem>>
        %dma_start3A_147 = arith.constant 0 : i32
        %dma_start3A_148 = arith.constant 0 : i32
        %dma_start3A_149 = tpu.memref_slice %arg2[%dma_start3A_147, %dma_start3A_148] : memref<802816x128xf32, #tpu.memory_space<hbm>> -> memref<802816x128xf32, #tpu.memory_space<hbm>>
        tpu.enqueue_indirect_dma source(%dma_start3A_149 : memref<802816x128xf32, #tpu.memory_space<hbm>>) target(%dma_start3A_143 : memref<32x128xf32, #tpu.memory_space<vmem>>) offsets(%dma_start3A_146 : memref<32xi32, #tpu.memory_space<vmem>>) semaphore(%arg12 : memref<!tpu.dma_semaphore, #tpu.memory_space<semaphore_mem>>)
      } else {
      }
      %broadcast_in_dim3A_64 = vector.broadcast %select_n3A_50 : i32 to vector<16xi32>
      %scan3A_65 = arith.constant 0 : i32
      %scan3A_66 = arith.constant 0 : i32
      %scan3A_67 = arith.constant 16 : i32
      %scan3A_68 = arith.addi %scan3A_66, %scan3A_67 : i32
      %scan3A_69 = arith.constant 1 : i32
      scf.for %scan3A_124 = %scan3A_66 to %scan3A_68 step %scan3A_69  : i32 {
        %mul3A_125 = arith.constant 2 : i32
        %mul3A_126 = arith.muli %scan3A_124, %mul3A_125 : i32
        %add3A_127 = arith.constant 0 : i32
        %add3A_128 = arith.addi %mul3A_126, %add3A_127 : i32
        %get3A_129 = arith.index_cast %select_n3A_50 : i32 to index
        %get3A_130 = arith.index_cast %add3A_128 : i32 to index
        %get3A_131 = arith.constant 0 : index
        %get3A_132 = tpu.vector_load %arg8[%get3A_129, %get3A_130, %get3A_131] {strides = array<i32>} : memref<2x32x128xf32, #tpu.memory_space<vmem>>, vector<16xf32>,
        %max3A_133 = arith.maximumf %broadcast_in_dim3A_3, %get3A_132 : vector<16xf32>
        %mul3A_134 = arith.constant 2 : i32
        %mul3A_135 = arith.muli %scan3A_124, %mul3A_134 : i32
        %add3A_136 = arith.constant 0 : i32
        %add3A_137 = arith.addi %mul3A_135, %add3A_136 : i32
        %get3A_138 = arith.index_cast %select_n3A_50 : i32 to index
        %get3A_139 = arith.index_cast %add3A_137 : i32 to index
        %get3A_140 = arith.constant 16 : index
        %get3A_141 = tpu.vector_load %arg8[%get3A_138, %get3A_139, %get3A_140] {strides = array<i32>} : memref<2x32x128xf32, #tpu.memory_space<vmem>>, vector<16xf32>,
        %max3A_142 = arith.maximumf %max3A_133, %get3A_141 : vector<16xf32>
        %mul3A_143 = arith.constant 2 : i32
        %mul3A_144 = arith.muli %scan3A_124, %mul3A_143 : i32
        %add3A_145 = arith.constant 0 : i32
        %add3A_146 = arith.addi %mul3A_144, %add3A_145 : i32
        %get3A_147 = arith.index_cast %select_n3A_50 : i32 to index
        %get3A_148 = arith.index_cast %add3A_146 : i32 to index
        %get3A_149 = arith.constant 32 : index
        %get3A_150 = tpu.vector_load %arg8[%get3A_147, %get3A_148, %get3A_149] {strides = array<i32>} : memref<2x32x128xf32, #tpu.memory_space<vmem>>, vector<16xf32>,
        %max3A_151 = arith.maximumf %max3A_142, %get3A_150 : vector<16xf32>
        %mul3A_152 = arith.constant 2 : i32
        %mul3A_153 = arith.muli %scan3A_124, %mul3A_152 : i32
        %add3A_154 = arith.constant 0 : i32
        %add3A_155 = arith.addi %mul3A_153, %add3A_154 : i32
        %get3A_156 = arith.index_cast %select_n3A_50 : i32 to index
        %get3A_157 = arith.index_cast %add3A_155 : i32 to index
        %get3A_158 = arith.constant 48 : index
        %get3A_159 = tpu.vector_load %arg8[%get3A_156, %get3A_157, %get3A_158] {strides = array<i32>} : memref<2x32x128xf32, #tpu.memory_space<vmem>>, vector<16xf32>,
        %max3A_160 = arith.maximumf %max3A_151, %get3A_159 : vector<16xf32>
        %mul3A_161 = arith.constant 2 : i32
        %mul3A_162 = arith.muli %scan3A_124, %mul3A_161 : i32
        %add3A_163 = arith.constant 0 : i32
        %add3A_164 = arith.addi %mul3A_162, %add3A_163 : i32
        %get3A_165 = arith.index_cast %select_n3A_50 : i32 to index
        %get3A_166 = arith.index_cast %add3A_164 : i32 to index
        %get3A_167 = arith.constant 64 : index
        %get3A_168 = tpu.vector_load %arg8[%get3A_165, %get3A_166, %get3A_167] {strides = array<i32>} : memref<2x32x128xf32, #tpu.memory_space<vmem>>, vector<16xf32>,
        %max3A_169 = arith.maximumf %max3A_160, %get3A_168 : vector<16xf32>
        %mul3A_170 = arith.constant 2 : i32
        %mul3A_171 = arith.muli %scan3A_124, %mul3A_170 : i32
        %add3A_172 = arith.constant 0 : i32
        %add3A_173 = arith.addi %mul3A_171, %add3A_172 : i32
        %get3A_174 = arith.index_cast %select_n3A_50 : i32 to index
        %get3A_175 = arith.index_cast %add3A_173 : i32 to index
        %get3A_176 = arith.constant 80 : index
        %get3A_177 = tpu.vector_load %arg8[%get3A_174, %get3A_175, %get3A_176] {strides = array<i32>} : memref<2x32x128xf32, #tpu.memory_space<vmem>>, vector<16xf32>,
        %max3A_178 = arith.maximumf %max3A_169, %get3A_177 : vector<16xf32>
        %mul3A_179 = arith.constant 2 : i32
        %mul3A_180 = arith.muli %scan3A_124, %mul3A_179 : i32
        %add3A_181 = arith.constant 0 : i32
        %add3A_182 = arith.addi %mul3A_180, %add3A_181 : i32
        %get3A_183 = arith.index_cast %select_n3A_50 : i32 to index
        %get3A_184 = arith.index_cast %add3A_182 : i32 to index
        %get3A_185 = arith.constant 96 : index
        %get3A_186 = tpu.vector_load %arg8[%get3A_183, %get3A_184, %get3A_185] {strides = array<i32>} : memref<2x32x128xf32, #tpu.memory_space<vmem>>, vector<16xf32>,
        %max3A_187 = arith.maximumf %max3A_178, %get3A_186 : vector<16xf32>
        %mul3A_188 = arith.constant 2 : i32
        %mul3A_189 = arith.muli %scan3A_124, %mul3A_188 : i32
        %add3A_190 = arith.constant 0 : i32
        %add3A_191 = arith.addi %mul3A_189, %add3A_190 : i32
        %get3A_192 = arith.index_cast %select_n3A_50 : i32 to index
        %get3A_193 = arith.index_cast %add3A_191 : i32 to index
        %get3A_194 = arith.constant 112 : index
        %get3A_195 = tpu.vector_load %arg8[%get3A_192, %get3A_193, %get3A_194] {strides = array<i32>} : memref<2x32x128xf32, #tpu.memory_space<vmem>>, vector<16xf32>,
        %max3A_196 = arith.maximumf %max3A_187, %get3A_195 : vector<16xf32>
        %mul3A_197 = arith.constant 2 : i32
        %mul3A_198 = arith.muli %scan3A_124, %mul3A_197 : i32
        %add3A_199 = arith.constant 1 : i32
        %add3A_200 = arith.addi %mul3A_198, %add3A_199 : i32
        %get3A_201 = arith.index_cast %select_n3A_50 : i32 to index
        %get3A_202 = arith.index_cast %add3A_200 : i32 to index
        %get3A_203 = arith.constant 0 : index
        %get3A_204 = tpu.vector_load %arg8[%get3A_201, %get3A_202, %get3A_203] {strides = array<i32>} : memref<2x32x128xf32, #tpu.memory_space<vmem>>, vector<16xf32>,
        %max3A_205 = arith.maximumf %max3A_196, %get3A_204 : vector<16xf32>
        %mul3A_206 = arith.constant 2 : i32
        %mul3A_207 = arith.muli %scan3A_124, %mul3A_206 : i32
        %add3A_208 = arith.constant 1 : i32
        %add3A_209 = arith.addi %mul3A_207, %add3A_208 : i32
        %get3A_210 = arith.index_cast %select_n3A_50 : i32 to index
        %get3A_211 = arith.index_cast %add3A_209 : i32 to index
        %get3A_212 = arith.constant 16 : index
        %get3A_213 = tpu.vector_load %arg8[%get3A_210, %get3A_211, %get3A_212] {strides = array<i32>} : memref<2x32x128xf32, #tpu.memory_space<vmem>>, vector<16xf32>,
        %max3A_214 = arith.maximumf %max3A_205, %get3A_213 : vector<16xf32>
        %mul3A_215 = arith.constant 2 : i32
        %mul3A_216 = arith.muli %scan3A_124, %mul3A_215 : i32
        %add3A_217 = arith.constant 1 : i32
        %add3A_218 = arith.addi %mul3A_216, %add3A_217 : i32
        %get3A_219 = arith.index_cast %select_n3A_50 : i32 to index
        %get3A_220 = arith.index_cast %add3A_218 : i32 to index
        %get3A_221 = arith.constant 32 : index
        %get3A_222 = tpu.vector_load %arg8[%get3A_219, %get3A_220, %get3A_221] {strides = array<i32>} : memref<2x32x128xf32, #tpu.memory_space<vmem>>, vector<16xf32>,
        %max3A_223 = arith.maximumf %max3A_214, %get3A_222 : vector<16xf32>
        %mul3A_224 = arith.constant 2 : i32
        %mul3A_225 = arith.muli %scan3A_124, %mul3A_224 : i32
        %add3A_226 = arith.constant 1 : i32
        %add3A_227 = arith.addi %mul3A_225, %add3A_226 : i32
        %get3A_228 = arith.index_cast %select_n3A_50 : i32 to index
        %get3A_229 = arith.index_cast %add3A_227 : i32 to index
        %get3A_230 = arith.constant 48 : index
        %get3A_231 = tpu.vector_load %arg8[%get3A_228, %get3A_229, %get3A_230] {strides = array<i32>} : memref<2x32x128xf32, #tpu.memory_space<vmem>>, vector<16xf32>,
        %max3A_232 = arith.maximumf %max3A_223, %get3A_231 : vector<16xf32>
        %mul3A_233 = arith.constant 2 : i32
        %mul3A_234 = arith.muli %scan3A_124, %mul3A_233 : i32
        %add3A_235 = arith.constant 1 : i32
        %add3A_236 = arith.addi %mul3A_234, %add3A_235 : i32
        %get3A_237 = arith.index_cast %select_n3A_50 : i32 to index
        %get3A_238 = arith.index_cast %add3A_236 : i32 to index
        %get3A_239 = arith.constant 64 : index
        %get3A_240 = tpu.vector_load %arg8[%get3A_237, %get3A_238, %get3A_239] {strides = array<i32>} : memref<2x32x128xf32, #tpu.memory_space<vmem>>, vector<16xf32>,
        %max3A_241 = arith.maximumf %max3A_232, %get3A_240 : vector<16xf32>
        %mul3A_242 = arith.constant 2 : i32
        %mul3A_243 = arith.muli %scan3A_124, %mul3A_242 : i32
        %add3A_244 = arith.constant 1 : i32
        %add3A_245 = arith.addi %mul3A_243, %add3A_244 : i32
        %get3A_246 = arith.index_cast %select_n3A_50 : i32 to index
        %get3A_247 = arith.index_cast %add3A_245 : i32 to index
        %get3A_248 = arith.constant 80 : index
        %get3A_249 = tpu.vector_load %arg8[%get3A_246, %get3A_247, %get3A_248] {strides = array<i32>} : memref<2x32x128xf32, #tpu.memory_space<vmem>>, vector<16xf32>,
        %max3A_250 = arith.maximumf %max3A_241, %get3A_249 : vector<16xf32>
        %mul3A_251 = arith.constant 2 : i32
        %mul3A_252 = arith.muli %scan3A_124, %mul3A_251 : i32
        %add3A_253 = arith.constant 1 : i32
        %add3A_254 = arith.addi %mul3A_252, %add3A_253 : i32
        %get3A_255 = arith.index_cast %select_n3A_50 : i32 to index
        %get3A_256 = arith.index_cast %add3A_254 : i32 to index
        %get3A_257 = arith.constant 96 : index
        %get3A_258 = tpu.vector_load %arg8[%get3A_255, %get3A_256, %get3A_257] {strides = array<i32>} : memref<2x32x128xf32, #tpu.memory_space<vmem>>, vector<16xf32>,
        %max3A_259 = arith.maximumf %max3A_250, %get3A_258 : vector<16xf32>
        %mul3A_260 = arith.constant 2 : i32
        %mul3A_261 = arith.muli %scan3A_124, %mul3A_260 : i32
        %add3A_262 = arith.constant 1 : i32
        %add3A_263 = arith.addi %mul3A_261, %add3A_262 : i32
        %get3A_264 = arith.index_cast %select_n3A_50 : i32 to index
        %get3A_265 = arith.index_cast %add3A_263 : i32 to index
        %get3A_266 = arith.constant 112 : index
        %get3A_267 = tpu.vector_load %arg8[%get3A_264, %get3A_265, %get3A_266] {strides = array<i32>} : memref<2x32x128xf32, #tpu.memory_space<vmem>>, vector<16xf32>,
        %max3A_268 = arith.maximumf %max3A_259, %get3A_267 : vector<16xf32>
        %mul3A_269 = arith.constant 16 : i32
        %mul3A_270 = arith.muli %scan3A_124, %mul3A_269 : i32
        %swap3A_271 = arith.index_cast %mul3A_270 : i32 to index
        %swap3A_272 = tpu.vector_load %arg9[%swap3A_271] {strides = array<i32>} : memref<256xf32, #tpu.memory_space<vmem>>, vector<16xf32>,
        tpu.vector_store %arg9[%swap3A_271], %max3A_268 {strides = array<i32>} : memref<256xf32, #tpu.memory_space<vmem>>, vector<16xf32>,
      }
      %scan3A_70 = arith.constant 16 : i32
      %get3A_71 = arith.constant 0 : index
      %get3A_72 = tpu.vector_load %arg9[%get3A_71] {strides = array<i32>} : memref<256xf32, #tpu.memory_space<vmem>>, vector<16xf32>,
      %get3A_73 = arith.constant 16 : index
      %get3A_74 = tpu.vector_load %arg9[%get3A_73] {strides = array<i32>} : memref<256xf32, #tpu.memory_space<vmem>>, vector<16xf32>,
      %max3A = arith.maximumf %get3A_72, %get3A_74 : vector<16xf32>
      %get3A_75 = arith.constant 32 : index
      %get3A_76 = tpu.vector_load %arg9[%get3A_75] {strides = array<i32>} : memref<256xf32, #tpu.memory_space<vmem>>, vector<16xf32>,
      %max3A_77 = arith.maximumf %max3A, %get3A_76 : vector<16xf32>
      %get3A_78 = arith.constant 48 : index
      %get3A_79 = tpu.vector_load %arg9[%get3A_78] {strides = array<i32>} : memref<256xf32, #tpu.memory_space<vmem>>, vector<16xf32>,
      %max3A_80 = arith.maximumf %max3A_77, %get3A_79 : vector<16xf32>
      %get3A_81 = arith.constant 64 : index
      %get3A_82 = tpu.vector_load %arg9[%get3A_81] {strides = array<i32>} : memref<256xf32, #tpu.memory_space<vmem>>, vector<16xf32>,
      %max3A_83 = arith.maximumf %max3A_80, %get3A_82 : vector<16xf32>
      %get3A_84 = arith.constant 80 : index
      %get3A_85 = tpu.vector_load %arg9[%get3A_84] {strides = array<i32>} : memref<256xf32, #tpu.memory_space<vmem>>, vector<16xf32>,
      %max3A_86 = arith.maximumf %max3A_83, %get3A_85 : vector<16xf32>
      %get3A_87 = arith.constant 96 : index
      %get3A_88 = tpu.vector_load %arg9[%get3A_87] {strides = array<i32>} : memref<256xf32, #tpu.memory_space<vmem>>, vector<16xf32>,
      %max3A_89 = arith.maximumf %max3A_86, %get3A_88 : vector<16xf32>
      %get3A_90 = arith.constant 112 : index
      %get3A_91 = tpu.vector_load %arg9[%get3A_90] {strides = array<i32>} : memref<256xf32, #tpu.memory_space<vmem>>, vector<16xf32>,
      %max3A_92 = arith.maximumf %max3A_89, %get3A_91 : vector<16xf32>
      %get3A_93 = arith.constant 128 : index
      %get3A_94 = tpu.vector_load %arg9[%get3A_93] {strides = array<i32>} : memref<256xf32, #tpu.memory_space<vmem>>, vector<16xf32>,
      %max3A_95 = arith.maximumf %max3A_92, %get3A_94 : vector<16xf32>
      %get3A_96 = arith.constant 144 : index
      %get3A_97 = tpu.vector_load %arg9[%get3A_96] {strides = array<i32>} : memref<256xf32, #tpu.memory_space<vmem>>, vector<16xf32>,
      %max3A_98 = arith.maximumf %max3A_95, %get3A_97 : vector<16xf32>
      %get3A_99 = arith.constant 160 : index
      %get3A_100 = tpu.vector_load %arg9[%get3A_99] {strides = array<i32>} : memref<256xf32, #tpu.memory_space<vmem>>, vector<16xf32>,
      %max3A_101 = arith.maximumf %max3A_98, %get3A_100 : vector<16xf32>
      %get3A_102 = arith.constant 176 : index
      %get3A_103 = tpu.vector_load %arg9[%get3A_102] {strides = array<i32>} : memref<256xf32, #tpu.memory_space<vmem>>, vector<16xf32>,
      %max3A_104 = arith.maximumf %max3A_101, %get3A_103 : vector<16xf32>
      %get3A_105 = arith.constant 192 : index
      %get3A_106 = tpu.vector_load %arg9[%get3A_105] {strides = array<i32>} : memref<256xf32, #tpu.memory_space<vmem>>, vector<16xf32>,
      %max3A_107 = arith.maximumf %max3A_104, %get3A_106 : vector<16xf32>
      %get3A_108 = arith.constant 208 : index
      %get3A_109 = tpu.vector_load %arg9[%get3A_108] {strides = array<i32>} : memref<256xf32, #tpu.memory_space<vmem>>, vector<16xf32>,
      %max3A_110 = arith.maximumf %max3A_107, %get3A_109 : vector<16xf32>
      %get3A_111 = arith.constant 224 : index
      %get3A_112 = tpu.vector_load %arg9[%get3A_111] {strides = array<i32>} : memref<256xf32, #tpu.memory_space<vmem>>, vector<16xf32>,
      %max3A_113 = arith.maximumf %max3A_110, %get3A_112 : vector<16xf32>
      %get3A_114 = arith.constant 240 : index
      %get3A_115 = tpu.vector_load %arg9[%get3A_114] {strides = array<i32>} : memref<256xf32, #tpu.memory_space<vmem>>, vector<16xf32>,
      %max3A_116 = arith.maximumf %max3A_113, %get3A_115 : vector<16xf32>
      %broadcast_in_dim3A_117 = vector.broadcast %scan3A_38 : i32 to vector<16xi32>
      %scan3A_118 = arith.constant 0 : i32
      %scan3A_119 = arith.constant 32 : i32
      %scan3A_120 = arith.addi %scan3A_118, %scan3A_119 : i32
      %scan3A_121 = arith.constant 1 : i32
      %scan3A_122 = scf.for %scan3A_124 = %scan3A_118 to %scan3A_120 step %scan3A_121 iter_args(%scan3A_125 = %max3A_116) -> (vector<16xf32>)  : i32 {
        %sort3A = arith.constant dense<true> : vector<16xi1>
        %sort3A_126, %sort3A_127, %sort3A_128 = tpu.sort %scan3A_125, %scan3A_125 masked %sort3A : (vector<16xf32>, vector<16xf32>, vector<16xi1>) -> (vector<16xi1>, vector<16xf32>, vector<16xf32>)
        %slice3A = vector.extract_strided_slice %sort3A_127 {offsets = [15], sizes = [1], strides = [1]} : vector<16xf32> to vector<1xf32>
        %squeeze3A = vector.extract %slice3A[0] : f32 from vector<1xf32>
        %eq3A_129 = vector.broadcast %squeeze3A : f32 to vector<16xf32>
        %eq3A_130 = arith.cmpf oeq, %scan3A_125, %eq3A_129 : vector<16xf32>
        %all_reduce_ffs3A = tpu.all_reduce %eq3A_130 {dim = 0 : i64, kind = #tpu.reduction_kind<find_first_set>} : vector<16xi1> -> vector<16xi32>
        %slice3A_131 = vector.extract_strided_slice %all_reduce_ffs3A {offsets = [0], sizes = [1], strides = [1]} : vector<16xi32> to vector<1xi32>
        %squeeze3A_132 = vector.extract %slice3A_131[0] : i32 from vector<1xi32>
        %mul3A_133 = arith.constant 16 : i32
        %mul3A_134 = vector.broadcast %mul3A_133 : i32 to vector<16xi32>
        %mul3A_135 = arith.muli %iota3A, %mul3A_134 : vector<16xi32>
        %add3A_136 = vector.broadcast %squeeze3A_132 : i32 to vector<16xi32>
        %add3A_137 = arith.addi %mul3A_135, %add3A_136 : vector<16xi32>
        %gather3A = tpu.vector_load_idx %arg9[%add3A_137] : memref<256xf32, #tpu.memory_space<vmem>>[vector<16xi32>], vector<16xf32>,
        %eq3A_138 = vector.broadcast %squeeze3A : f32 to vector<16xf32>
        %eq3A_139 = arith.cmpf oeq, %gather3A, %eq3A_138 : vector<16xf32>
        %all_reduce_ffs3A_140 = tpu.all_reduce %eq3A_139 {dim = 0 : i64, kind = #tpu.reduction_kind<find_first_set>} : vector<16xi1> -> vector<16xi32>
        %slice3A_141 = vector.extract_strided_slice %all_reduce_ffs3A_140 {offsets = [0], sizes = [1], strides = [1]} : vector<16xi32> to vector<1xi32>
        %squeeze3A_142 = vector.extract %slice3A_141[0] : i32 from vector<1xi32>
        %mul3A_143 = arith.constant 16 : i32
        %mul3A_144 = arith.muli %squeeze3A_142, %mul3A_143 : i32
        %add3A_145 = vector.broadcast %mul3A_144 : i32 to vector<16xi32>
        %add3A_146 = arith.addi %add3A_145, %iota3A : vector<16xi32>
        %mul3A_147 = arith.constant 16 : i32
        %mul3A_148 = vector.broadcast %mul3A_147 : i32 to vector<16xi32>
        %mul3A_149 = arith.muli %add3A_146, %mul3A_148 : vector<16xi32>
        %add3A_150 = vector.broadcast %squeeze3A_132 : i32 to vector<16xi32>
        %add3A_151 = arith.addi %mul3A_149, %add3A_150 : vector<16xi32>
        %jit3A_152 = arith.constant 128 : i32
        %div3A = vector.broadcast %jit3A_152 : i32 to vector<16xi32>
        %div3A_153 = arith.divsi %add3A_151, %div3A : vector<16xi32>
        %sign3A = arith.constant 0 : i32
        %sign3A_154 = vector.broadcast %sign3A : i32 to vector<16xi32>
        %sign3A_155 = arith.cmpi sgt, %add3A_151, %sign3A_154 : vector<16xi32>
        %sign3A_156 = arith.extui %sign3A_155 : vector<16xi1> to vector<16xi32>
        %sign3A_157 = arith.constant 0 : i32
        %sign3A_158 = vector.broadcast %sign3A_157 : i32 to vector<16xi32>
        %sign3A_159 = arith.cmpi slt, %add3A_151, %sign3A_158 : vector<16xi32>
        %sign3A_160 = arith.extui %sign3A_159 : vector<16xi1> to vector<16xi32>
        %sign3A_161 = arith.subi %sign3A_156, %sign3A_160 : vector<16xi32>
        %sign3A_162 = arith.constant 0 : i32
        %sign3A_163 = arith.cmpi sgt, %jit3A_152, %sign3A_162 : i32
        %sign3A_164 = arith.extui %sign3A_163 : i1 to i32
        %sign3A_165 = arith.constant 0 : i32
        %sign3A_166 = arith.cmpi slt, %jit3A_152, %sign3A_165 : i32
        %sign3A_167 = arith.extui %sign3A_166 : i1 to i32
        %sign3A_168 = arith.subi %sign3A_164, %sign3A_167 : i32
        %ne3A_169 = vector.broadcast %sign3A_168 : i32 to vector<16xi32>
        %ne3A_170 = arith.cmpi ne, %sign3A_161, %ne3A_169 : vector<16xi32>
        %rem3A_171 = vector.broadcast %jit3A_152 : i32 to vector<16xi32>
        %rem3A_172 = arith.remsi %add3A_151, %rem3A_171 : vector<16xi32>
        %ne3A_173 = arith.constant 0 : i32
        %ne3A_174 = vector.broadcast %ne3A_173 : i32 to vector<16xi32>
        %ne3A_175 = arith.cmpi ne, %rem3A_172, %ne3A_174 : vector<16xi32>
        %and3A_176 = arith.andi %ne3A_170, %ne3A_175 : vector<16xi1>
        %sub3A_177 = arith.constant 1 : i32
        %sub3A_178 = vector.broadcast %sub3A_177 : i32 to vector<16xi32>
        %sub3A_179 = arith.subi %div3A_153, %sub3A_178 : vector<16xi32>
        %select_n3A_180 = arith.select %and3A_176, %sub3A_179, %div3A_153 : vector<16xi1>, vector<16xi32>
        %jit3A_181 = arith.constant 128 : i32
        %eq3A_182 = arith.constant 0 : i32
        %eq3A_183 = arith.cmpi eq, %jit3A_181, %eq3A_182 : i32
        %jit3A_184 = arith.constant 1 : i32
        %select_n3A_185 = arith.select %eq3A_183, %jit3A_184, %jit3A_181 : i32
        %rem3A_186 = vector.broadcast %select_n3A_185 : i32 to vector<16xi32>
        %rem3A_187 = arith.remsi %add3A_151, %rem3A_186 : vector<16xi32>
        %ne3A_188 = arith.constant 0 : i32
        %ne3A_189 = vector.broadcast %ne3A_188 : i32 to vector<16xi32>
        %ne3A_190 = arith.cmpi ne, %rem3A_187, %ne3A_189 : vector<16xi32>
        %lt3A_191 = arith.constant 0 : i32
        %lt3A_192 = vector.broadcast %lt3A_191 : i32 to vector<16xi32>
        %lt3A_193 = arith.cmpi slt, %rem3A_187, %lt3A_192 : vector<16xi32>
        %lt3A_194 = arith.constant 0 : i32
        %lt3A_195 = arith.cmpi slt, %select_n3A_185, %lt3A_194 : i32
        %ne3A_196 = vector.broadcast %lt3A_195 : i1 to vector<16xi1>
        %ne3A_197 = vector.broadcast %ne3A_196 : vector<16xi1> to vector<16xi1>
        %ne3A_198 = arith.xori %lt3A_193, %ne3A_197 : vector<16xi1>
        %and3A_199 = arith.andi %ne3A_198, %ne3A_190 : vector<16xi1>
        %add3A_200 = vector.broadcast %select_n3A_185 : i32 to vector<16xi32>
        %add3A_201 = arith.addi %rem3A_187, %add3A_200 : vector<16xi32>
        %select_n3A_202 = arith.select %and3A_199, %add3A_201, %rem3A_187 : vector<16xi1>, vector<16xi32>
        %gather3A_203 = tpu.vector_load_idx %arg8[%broadcast_in_dim3A_64, %select_n3A_180, %select_n3A_202] : memref<2x32x128xf32, #tpu.memory_space<vmem>>[vector<16xi32>, vector<16xi32>, vector<16xi32>], vector<16xf32>,
        %eq3A_204 = vector.broadcast %squeeze3A : f32 to vector<16xf32>
        %eq3A_205 = arith.cmpf oeq, %gather3A_203, %eq3A_204 : vector<16xf32>
        %all_reduce_ffs3A_206 = tpu.all_reduce %eq3A_205 {dim = 0 : i64, kind = #tpu.reduction_kind<find_first_set>} : vector<16xi1> -> vector<16xi32>
        %slice3A_207 = vector.extract_strided_slice %all_reduce_ffs3A_206 {offsets = [0], sizes = [1], strides = [1]} : vector<16xi32> to vector<1xi32>
        %squeeze3A_208 = vector.extract %slice3A_207[0] : i32 from vector<1xi32>
        %all_reduce_population_count3A = tpu.all_reduce %eq3A_130 {dim = 0 : i64, kind = #tpu.reduction_kind<sum>} : vector<16xi1> -> vector<16xi32>
        %slice3A_209 = vector.extract_strided_slice %all_reduce_population_count3A {offsets = [0], sizes = [1], strides = [1]} : vector<16xi32> to vector<1xi32>
        %squeeze3A_210 = vector.extract %slice3A_209[0] : i32 from vector<1xi32>
        %eq3A_211 = arith.constant 1 : i32
        %eq3A_212 = arith.cmpi eq, %squeeze3A_210, %eq3A_211 : i32
        %all_reduce_population_count3A_213 = tpu.all_reduce %eq3A_139 {dim = 0 : i64, kind = #tpu.reduction_kind<sum>} : vector<16xi1> -> vector<16xi32>
        %slice3A_214 = vector.extract_strided_slice %all_reduce_population_count3A_213 {offsets = [0], sizes = [1], strides = [1]} : vector<16xi32> to vector<1xi32>
        %squeeze3A_215 = vector.extract %slice3A_214[0] : i32 from vector<1xi32>
        %eq3A_216 = arith.constant 1 : i32
        %eq3A_217 = arith.cmpi eq, %squeeze3A_215, %eq3A_216 : i32
        %and3A_218 = arith.andi %eq3A_212, %eq3A_217 : i1
        %all_reduce_population_count3A_219 = tpu.all_reduce %eq3A_205 {dim = 0 : i64, kind = #tpu.reduction_kind<sum>} : vector<16xi1> -> vector<16xi32>
        %slice3A_220 = vector.extract_strided_slice %all_reduce_population_count3A_219 {offsets = [0], sizes = [1], strides = [1]} : vector<16xi32> to vector<1xi32>
        %squeeze3A_221 = vector.extract %slice3A_220[0] : i32 from vector<1xi32>
        %eq3A_222 = arith.constant 1 : i32
        %eq3A_223 = arith.cmpi eq, %squeeze3A_221, %eq3A_222 : i32
        %and3A_224 = arith.andi %and3A_218, %eq3A_223 : i1
        %convert_element_type3A_225 = arith.extui %and3A_224 : i1 to i32
        %cond3A_226 = arith.constant 0 : i32
        %cond3A_227 = arith.cmpi ne, %convert_element_type3A_225, %cond3A_226 : i32
        %cond3A_228 = scf.if %cond3A_227 -> (i32) {
          %mul3A_525 = arith.constant 16 : i32
          %mul3A_526 = arith.muli %squeeze3A_142, %mul3A_525 : i32
          %add3A_527 = arith.addi %mul3A_526, %squeeze3A_208 : i32
          %mul3A_528 = arith.constant 16 : i32
          %mul3A_529 = arith.muli %add3A_527, %mul3A_528 : i32
          %add3A_530 = arith.addi %mul3A_529, %squeeze3A_132 : i32
          scf.yield %add3A_530 : i32
        } else {
          %scan3A_525 = arith.constant 1073741824 : i32
          %scan3A_526 = arith.constant 0 : i32
          %scan3A_527 = arith.constant 0 : i32
          %scan3A_528 = arith.constant 256 : i32
          %scan3A_529 = arith.addi %scan3A_527, %scan3A_528 : i32
          %scan3A_530 = arith.constant 1 : i32
          %scan3A_531:2 = scf.for %scan3A_533 = %scan3A_527 to %scan3A_529 step %scan3A_530 iter_args(%scan3A_534 = %scan3A_525, %scan3A_535 = %scan3A_526) -> (i32, i32)  : i32 {
            %jit3A_536 = arith.constant 8 : i32
            %div3A_537 = arith.divsi %scan3A_533, %jit3A_536 : i32
            %sign3A_538 = arith.constant 0 : i32
            %sign3A_539 = arith.cmpi sgt, %scan3A_533, %sign3A_538 : i32
            %sign3A_540 = arith.extui %sign3A_539 : i1 to i32
            %sign3A_541 = arith.constant 0 : i32
            %sign3A_542 = arith.cmpi slt, %scan3A_533, %sign3A_541 : i32
            %sign3A_543 = arith.extui %sign3A_542 : i1 to i32
            %sign3A_544 = arith.subi %sign3A_540, %sign3A_543 : i32
            %sign3A_545 = arith.constant 0 : i32
            %sign3A_546 = arith.cmpi sgt, %jit3A_536, %sign3A_545 : i32
            %sign3A_547 = arith.extui %sign3A_546 : i1 to i32
            %sign3A_548 = arith.constant 0 : i32
            %sign3A_549 = arith.cmpi slt, %jit3A_536, %sign3A_548 : i32
            %sign3A_550 = arith.extui %sign3A_549 : i1 to i32
            %sign3A_551 = arith.subi %sign3A_547, %sign3A_550 : i32
            %ne3A_552 = arith.cmpi ne, %sign3A_544, %sign3A_551 : i32
            %rem3A_553 = arith.remsi %scan3A_533, %jit3A_536 : i32
            %ne3A_554 = arith.constant 0 : i32
            %ne3A_555 = arith.cmpi ne, %rem3A_553, %ne3A_554 : i32
            %and3A_556 = arith.andi %ne3A_552, %ne3A_555 : i1
            %sub3A_557 = arith.constant 1 : i32
            %sub3A_558 = arith.subi %div3A_537, %sub3A_557 : i32
            %select_n3A_559 = arith.select %and3A_556, %sub3A_558, %div3A_537 : i32
            %jit3A_560 = arith.constant 8 : i32
            %eq3A_561 = arith.constant 0 : i32
            %eq3A_562 = arith.cmpi eq, %jit3A_560, %eq3A_561 : i32
            %jit3A_563 = arith.constant 1 : i32
            %select_n3A_564 = arith.select %eq3A_562, %jit3A_563, %jit3A_560 : i32
            %rem3A_565 = arith.remsi %scan3A_533, %select_n3A_564 : i32
            %ne3A_566 = arith.constant 0 : i32
            %ne3A_567 = arith.cmpi ne, %rem3A_565, %ne3A_566 : i32
            %lt3A_568 = arith.constant 0 : i32
            %lt3A_569 = arith.cmpi slt, %rem3A_565, %lt3A_568 : i32
            %lt3A_570 = arith.constant 0 : i32
            %lt3A_571 = arith.cmpi slt, %select_n3A_564, %lt3A_570 : i32
            %ne3A_572 = arith.xori %lt3A_569, %lt3A_571 : i1
            %and3A_573 = arith.andi %ne3A_572, %ne3A_567 : i1
            %add3A_574 = arith.addi %rem3A_565, %select_n3A_564 : i32
            %select_n3A_575 = arith.select %and3A_573, %add3A_574, %rem3A_565 : i32
            %mul3A_576 = arith.constant 16 : i32
            %mul3A_577 = arith.muli %select_n3A_575, %mul3A_576 : i32
            %get3A_578 = arith.index_cast %select_n3A_50 : i32 to index
            %get3A_579 = arith.index_cast %select_n3A_559 : i32 to index
            %get3A_580 = arith.index_cast %mul3A_577 : i32 to index
            %get3A_581 = tpu.vector_load %arg8[%get3A_578, %get3A_579, %get3A_580] {strides = array<i32>} : memref<2x32x128xf32, #tpu.memory_space<vmem>>, vector<16xf32>,
            %eq3A_582 = vector.broadcast %squeeze3A : f32 to vector<16xf32>
            %eq3A_583 = arith.cmpf oeq, %get3A_581, %eq3A_582 : vector<16xf32>
            %jit3A_584 = arith.constant 8 : i32
            %div3A_585 = arith.divsi %scan3A_533, %jit3A_584 : i32
            %sign3A_586 = arith.constant 0 : i32
            %sign3A_587 = arith.cmpi sgt, %scan3A_533, %sign3A_586 : i32
            %sign3A_588 = arith.extui %sign3A_587 : i1 to i32
            %sign3A_589 = arith.constant 0 : i32
            %sign3A_590 = arith.cmpi slt, %scan3A_533, %sign3A_589 : i32
            %sign3A_591 = arith.extui %sign3A_590 : i1 to i32
            %sign3A_592 = arith.subi %sign3A_588, %sign3A_591 : i32
            %sign3A_593 = arith.constant 0 : i32
            %sign3A_594 = arith.cmpi sgt, %jit3A_584, %sign3A_593 : i32
            %sign3A_595 = arith.extui %sign3A_594 : i1 to i32
            %sign3A_596 = arith.constant 0 : i32
            %sign3A_597 = arith.cmpi slt, %jit3A_584, %sign3A_596 : i32
            %sign3A_598 = arith.extui %sign3A_597 : i1 to i32
            %sign3A_599 = arith.subi %sign3A_595, %sign3A_598 : i32
            %ne3A_600 = arith.cmpi ne, %sign3A_592, %sign3A_599 : i32
            %rem3A_601 = arith.remsi %scan3A_533, %jit3A_584 : i32
            %ne3A_602 = arith.constant 0 : i32
            %ne3A_603 = arith.cmpi ne, %rem3A_601, %ne3A_602 : i32
            %and3A_604 = arith.andi %ne3A_600, %ne3A_603 : i1
            %sub3A_605 = arith.constant 1 : i32
            %sub3A_606 = arith.subi %div3A_585, %sub3A_605 : i32
            %select_n3A_607 = arith.select %and3A_604, %sub3A_606, %div3A_585 : i32
            %broadcast_in_dim3A_608 = vector.broadcast %select_n3A_607 : i32 to vector<16xi32>
            %gather3A_609 = tpu.vector_load_idx %arg6[%broadcast_in_dim3A_117, %broadcast_in_dim3A_608] : memref<32x32xi32, #tpu.memory_space<vmem>>[vector<16xi32>, vector<16xi32>], vector<16xi32>,
            %slice3A_610 = vector.extract_strided_slice %gather3A_609 {offsets = [0], sizes = [1], strides = [1]} : vector<16xi32> to vector<1xi32>
            %squeeze3A_611 = vector.extract %slice3A_610[0] : i32 from vector<1xi32>
            %mul3A_612 = arith.constant 784 : i32
            %mul3A_613 = arith.muli %add3A_41, %mul3A_612 : i32
            %sub3A_614 = arith.subi %squeeze3A_611, %mul3A_613 : i32
            %mul3A_615 = arith.constant 128 : i32
            %mul3A_616 = arith.muli %sub3A_614, %mul3A_615 : i32
            %jit3A_617 = arith.constant 8 : i32
            %eq3A_618 = arith.constant 0 : i32
            %eq3A_619 = arith.cmpi eq, %jit3A_617, %eq3A_618 : i32
            %jit3A_620 = arith.constant 1 : i32
            %select_n3A_621 = arith.select %eq3A_619, %jit3A_620, %jit3A_617 : i32
            %rem3A_622 = arith.remsi %scan3A_533, %select_n3A_621 : i32
            %ne3A_623 = arith.constant 0 : i32
            %ne3A_624 = arith.cmpi ne, %rem3A_622, %ne3A_623 : i32
            %lt3A_625 = arith.constant 0 : i32
            %lt3A_626 = arith.cmpi slt, %rem3A_622, %lt3A_625 : i32
            %lt3A_627 = arith.constant 0 : i32
            %lt3A_628 = arith.cmpi slt, %select_n3A_621, %lt3A_627 : i32
            %ne3A_629 = arith.xori %lt3A_626, %lt3A_628 : i1
            %and3A_630 = arith.andi %ne3A_629, %ne3A_624 : i1
            %add3A_631 = arith.addi %rem3A_622, %select_n3A_621 : i32
            %select_n3A_632 = arith.select %and3A_630, %add3A_631, %rem3A_622 : i32
            %mul3A_633 = arith.constant 16 : i32
            %mul3A_634 = arith.muli %select_n3A_632, %mul3A_633 : i32
            %add3A_635 = arith.addi %mul3A_616, %mul3A_634 : i32
            %all_reduce_ffs3A_636 = tpu.all_reduce %eq3A_583 {dim = 0 : i64, kind = #tpu.reduction_kind<find_first_set>} : vector<16xi1> -> vector<16xi32>
            %slice3A_637 = vector.extract_strided_slice %all_reduce_ffs3A_636 {offsets = [0], sizes = [1], strides = [1]} : vector<16xi32> to vector<1xi32>
            %squeeze3A_638 = vector.extract %slice3A_637[0] : i32 from vector<1xi32>
            %add3A_639 = arith.addi %add3A_635, %squeeze3A_638 : i32
            %jit3A_640 = arith.constant 8 : i32
            %div3A_641 = arith.divsi %scan3A_533, %jit3A_640 : i32
            %sign3A_642 = arith.constant 0 : i32
            %sign3A_643 = arith.cmpi sgt, %scan3A_533, %sign3A_642 : i32
            %sign3A_644 = arith.extui %sign3A_643 : i1 to i32
            %sign3A_645 = arith.constant 0 : i32
            %sign3A_646 = arith.cmpi slt, %scan3A_533, %sign3A_645 : i32
            %sign3A_647 = arith.extui %sign3A_646 : i1 to i32
            %sign3A_648 = arith.subi %sign3A_644, %sign3A_647 : i32
            %sign3A_649 = arith.constant 0 : i32
            %sign3A_650 = arith.cmpi sgt, %jit3A_640, %sign3A_649 : i32
            %sign3A_651 = arith.extui %sign3A_650 : i1 to i32
            %sign3A_652 = arith.constant 0 : i32
            %sign3A_653 = arith.cmpi slt, %jit3A_640, %sign3A_652 : i32
            %sign3A_654 = arith.extui %sign3A_653 : i1 to i32
            %sign3A_655 = arith.subi %sign3A_651, %sign3A_654 : i32
            %ne3A_656 = arith.cmpi ne, %sign3A_648, %sign3A_655 : i32
            %rem3A_657 = arith.remsi %scan3A_533, %jit3A_640 : i32
            %ne3A_658 = arith.constant 0 : i32
            %ne3A_659 = arith.cmpi ne, %rem3A_657, %ne3A_658 : i32
            %and3A_660 = arith.andi %ne3A_656, %ne3A_659 : i1
            %sub3A_661 = arith.constant 1 : i32
            %sub3A_662 = arith.subi %div3A_641, %sub3A_661 : i32
            %select_n3A_663 = arith.select %and3A_660, %sub3A_662, %div3A_641 : i32
            %mul3A_664 = arith.constant 128 : i32
            %mul3A_665 = arith.muli %select_n3A_663, %mul3A_664 : i32
            %jit3A_666 = arith.constant 8 : i32
            %eq3A_667 = arith.constant 0 : i32
            %eq3A_668 = arith.cmpi eq, %jit3A_666, %eq3A_667 : i32
            %jit3A_669 = arith.constant 1 : i32
            %select_n3A_670 = arith.select %eq3A_668, %jit3A_669, %jit3A_666 : i32
            %rem3A_671 = arith.remsi %scan3A_533, %select_n3A_670 : i32
            %ne3A_672 = arith.constant 0 : i32
            %ne3A_673 = arith.cmpi ne, %rem3A_671, %ne3A_672 : i32
            %lt3A_674 = arith.constant 0 : i32
            %lt3A_675 = arith.cmpi slt, %rem3A_671, %lt3A_674 : i32
            %lt3A_676 = arith.constant 0 : i32
            %lt3A_677 = arith.cmpi slt, %select_n3A_670, %lt3A_676 : i32
            %ne3A_678 = arith.xori %lt3A_675, %lt3A_677 : i1
            %and3A_679 = arith.andi %ne3A_678, %ne3A_673 : i1
            %add3A_680 = arith.addi %rem3A_671, %select_n3A_670 : i32
            %select_n3A_681 = arith.select %and3A_679, %add3A_680, %rem3A_671 : i32
            %mul3A_682 = arith.constant 16 : i32
            %mul3A_683 = arith.muli %select_n3A_681, %mul3A_682 : i32
            %add3A_684 = arith.addi %mul3A_665, %mul3A_683 : i32
            %all_reduce_ffs3A_685 = tpu.all_reduce %eq3A_583 {dim = 0 : i64, kind = #tpu.reduction_kind<find_first_set>} : vector<16xi1> -> vector<16xi32>
            %slice3A_686 = vector.extract_strided_slice %all_reduce_ffs3A_685 {offsets = [0], sizes = [1], strides = [1]} : vector<16xi32> to vector<1xi32>
            %squeeze3A_687 = vector.extract %slice3A_686[0] : i32 from vector<1xi32>
            %add3A_688 = arith.addi %add3A_684, %squeeze3A_687 : i32
            %all_reduce_population_count3A_689 = tpu.all_reduce %eq3A_583 {dim = 0 : i64, kind = #tpu.reduction_kind<sum>} : vector<16xi1> -> vector<16xi32>
            %slice3A_690 = vector.extract_strided_slice %all_reduce_population_count3A_689 {offsets = [0], sizes = [1], strides = [1]} : vector<16xi32> to vector<1xi32>
            %squeeze3A_691 = vector.extract %slice3A_690[0] : i32 from vector<1xi32>
            %gt3A = arith.constant 0 : i32
            %gt3A_692 = arith.cmpi sgt, %squeeze3A_691, %gt3A : i32
            %lt3A_693 = arith.cmpi slt, %add3A_639, %scan3A_534 : i32
            %and3A_694 = arith.andi %gt3A_692, %lt3A_693 : i1
            %select_n3A_695 = arith.select %and3A_694, %add3A_639, %scan3A_534 : i32
            %select_n3A_696 = arith.select %and3A_694, %add3A_688, %scan3A_535 : i32
            scf.yield %select_n3A_695, %select_n3A_696 : i32, i32
          }
          %scan3A_532 = arith.constant 256 : i32
          scf.yield %scan3A_531#1 : i32
        }
        %jit3A_229 = arith.constant 128 : i32
        %div3A_230 = arith.divsi %cond3A_228, %jit3A_229 : i32
        %sign3A_231 = arith.constant 0 : i32
        %sign3A_232 = arith.cmpi sgt, %cond3A_228, %sign3A_231 : i32
        %sign3A_233 = arith.extui %sign3A_232 : i1 to i32
        %sign3A_234 = arith.constant 0 : i32
        %sign3A_235 = arith.cmpi slt, %cond3A_228, %sign3A_234 : i32
        %sign3A_236 = arith.extui %sign3A_235 : i1 to i32
        %sign3A_237 = arith.subi %sign3A_233, %sign3A_236 : i32
        %sign3A_238 = arith.constant 0 : i32
        %sign3A_239 = arith.cmpi sgt, %jit3A_229, %sign3A_238 : i32
        %sign3A_240 = arith.extui %sign3A_239 : i1 to i32
        %sign3A_241 = arith.constant 0 : i32
        %sign3A_242 = arith.cmpi slt, %jit3A_229, %sign3A_241 : i32
        %sign3A_243 = arith.extui %sign3A_242 : i1 to i32
        %sign3A_244 = arith.subi %sign3A_240, %sign3A_243 : i32
        %ne3A_245 = arith.cmpi ne, %sign3A_237, %sign3A_244 : i32
        %rem3A_246 = arith.remsi %cond3A_228, %jit3A_229 : i32
        %ne3A_247 = arith.constant 0 : i32
        %ne3A_248 = arith.cmpi ne, %rem3A_246, %ne3A_247 : i32
        %and3A_249 = arith.andi %ne3A_245, %ne3A_248 : i1
        %sub3A_250 = arith.constant 1 : i32
        %sub3A_251 = arith.subi %div3A_230, %sub3A_250 : i32
        %select_n3A_252 = arith.select %and3A_249, %sub3A_251, %div3A_230 : i32
        %jit3A_253 = arith.constant 128 : i32
        %eq3A_254 = arith.constant 0 : i32
        %eq3A_255 = arith.cmpi eq, %jit3A_253, %eq3A_254 : i32
        %jit3A_256 = arith.constant 1 : i32
        %select_n3A_257 = arith.select %eq3A_255, %jit3A_256, %jit3A_253 : i32
        %rem3A_258 = arith.remsi %cond3A_228, %select_n3A_257 : i32
        %ne3A_259 = arith.constant 0 : i32
        %ne3A_260 = arith.cmpi ne, %rem3A_258, %ne3A_259 : i32
        %lt3A_261 = arith.constant 0 : i32
        %lt3A_262 = arith.cmpi slt, %rem3A_258, %lt3A_261 : i32
        %lt3A_263 = arith.constant 0 : i32
        %lt3A_264 = arith.cmpi slt, %select_n3A_257, %lt3A_263 : i32
        %ne3A_265 = arith.xori %lt3A_262, %lt3A_264 : i1
        %and3A_266 = arith.andi %ne3A_265, %ne3A_260 : i1
        %add3A_267 = arith.addi %rem3A_258, %select_n3A_257 : i32
        %select_n3A_268 = arith.select %and3A_266, %add3A_267, %rem3A_258 : i32
        %jit3A_269 = arith.constant 16 : i32
        %div3A_270 = arith.divsi %cond3A_228, %jit3A_269 : i32
        %sign3A_271 = arith.constant 0 : i32
        %sign3A_272 = arith.cmpi sgt, %cond3A_228, %sign3A_271 : i32
        %sign3A_273 = arith.extui %sign3A_272 : i1 to i32
        %sign3A_274 = arith.constant 0 : i32
        %sign3A_275 = arith.cmpi slt, %cond3A_228, %sign3A_274 : i32
        %sign3A_276 = arith.extui %sign3A_275 : i1 to i32
        %sign3A_277 = arith.subi %sign3A_273, %sign3A_276 : i32
        %sign3A_278 = arith.constant 0 : i32
        %sign3A_279 = arith.cmpi sgt, %jit3A_269, %sign3A_278 : i32
        %sign3A_280 = arith.extui %sign3A_279 : i1 to i32
        %sign3A_281 = arith.constant 0 : i32
        %sign3A_282 = arith.cmpi slt, %jit3A_269, %sign3A_281 : i32
        %sign3A_283 = arith.extui %sign3A_282 : i1 to i32
        %sign3A_284 = arith.subi %sign3A_280, %sign3A_283 : i32
        %ne3A_285 = arith.cmpi ne, %sign3A_277, %sign3A_284 : i32
        %rem3A_286 = arith.remsi %cond3A_228, %jit3A_269 : i32
        %ne3A_287 = arith.constant 0 : i32
        %ne3A_288 = arith.cmpi ne, %rem3A_286, %ne3A_287 : i32
        %and3A_289 = arith.andi %ne3A_285, %ne3A_288 : i1
        %sub3A_290 = arith.constant 1 : i32
        %sub3A_291 = arith.subi %div3A_270, %sub3A_290 : i32
        %select_n3A_292 = arith.select %and3A_289, %sub3A_291, %div3A_270 : i32
        %jit3A_293 = arith.constant 16 : i32
        %div3A_294 = arith.divsi %select_n3A_292, %jit3A_293 : i32
        %sign3A_295 = arith.constant 0 : i32
        %sign3A_296 = arith.cmpi sgt, %select_n3A_292, %sign3A_295 : i32
        %sign3A_297 = arith.extui %sign3A_296 : i1 to i32
        %sign3A_298 = arith.constant 0 : i32
        %sign3A_299 = arith.cmpi slt, %select_n3A_292, %sign3A_298 : i32
        %sign3A_300 = arith.extui %sign3A_299 : i1 to i32
        %sign3A_301 = arith.subi %sign3A_297, %sign3A_300 : i32
        %sign3A_302 = arith.constant 0 : i32
        %sign3A_303 = arith.cmpi sgt, %jit3A_293, %sign3A_302 : i32
        %sign3A_304 = arith.extui %sign3A_303 : i1 to i32
        %sign3A_305 = arith.constant 0 : i32
        %sign3A_306 = arith.cmpi slt, %jit3A_293, %sign3A_305 : i32
        %sign3A_307 = arith.extui %sign3A_306 : i1 to i32
        %sign3A_308 = arith.subi %sign3A_304, %sign3A_307 : i32
        %ne3A_309 = arith.cmpi ne, %sign3A_301, %sign3A_308 : i32
        %rem3A_310 = arith.remsi %select_n3A_292, %jit3A_293 : i32
        %ne3A_311 = arith.constant 0 : i32
        %ne3A_312 = arith.cmpi ne, %rem3A_310, %ne3A_311 : i32
        %and3A_313 = arith.andi %ne3A_309, %ne3A_312 : i1
        %sub3A_314 = arith.constant 1 : i32
        %sub3A_315 = arith.subi %div3A_294, %sub3A_314 : i32
        %select_n3A_316 = arith.select %and3A_313, %sub3A_315, %div3A_294 : i32
        %jit3A_317 = arith.constant 16 : i32
        %eq3A_318 = arith.constant 0 : i32
        %eq3A_319 = arith.cmpi eq, %jit3A_317, %eq3A_318 : i32
        %jit3A_320 = arith.constant 1 : i32
        %select_n3A_321 = arith.select %eq3A_319, %jit3A_320, %jit3A_317 : i32
        %rem3A_322 = arith.remsi %select_n3A_292, %select_n3A_321 : i32
        %ne3A_323 = arith.constant 0 : i32
        %ne3A_324 = arith.cmpi ne, %rem3A_322, %ne3A_323 : i32
        %lt3A_325 = arith.constant 0 : i32
        %lt3A_326 = arith.cmpi slt, %rem3A_322, %lt3A_325 : i32
        %lt3A_327 = arith.constant 0 : i32
        %lt3A_328 = arith.cmpi slt, %select_n3A_321, %lt3A_327 : i32
        %ne3A_329 = arith.xori %lt3A_326, %lt3A_328 : i1
        %and3A_330 = arith.andi %ne3A_329, %ne3A_324 : i1
        %add3A_331 = arith.addi %rem3A_322, %select_n3A_321 : i32
        %select_n3A_332 = arith.select %and3A_330, %add3A_331, %rem3A_322 : i32
        %jit3A_333 = arith.constant 16 : i32
        %eq3A_334 = arith.constant 0 : i32
        %eq3A_335 = arith.cmpi eq, %jit3A_333, %eq3A_334 : i32
        %jit3A_336 = arith.constant 1 : i32
        %select_n3A_337 = arith.select %eq3A_335, %jit3A_336, %jit3A_333 : i32
        %rem3A_338 = arith.remsi %cond3A_228, %select_n3A_337 : i32
        %ne3A_339 = arith.constant 0 : i32
        %ne3A_340 = arith.cmpi ne, %rem3A_338, %ne3A_339 : i32
        %lt3A_341 = arith.constant 0 : i32
        %lt3A_342 = arith.cmpi slt, %rem3A_338, %lt3A_341 : i32
        %lt3A_343 = arith.constant 0 : i32
        %lt3A_344 = arith.cmpi slt, %select_n3A_337, %lt3A_343 : i32
        %ne3A_345 = arith.xori %lt3A_342, %lt3A_344 : i1
        %and3A_346 = arith.andi %ne3A_345, %ne3A_340 : i1
        %add3A_347 = arith.addi %rem3A_338, %select_n3A_337 : i32
        %select_n3A_348 = arith.select %and3A_346, %add3A_347, %rem3A_338 : i32
        %broadcast_in_dim3A_349 = vector.broadcast %select_n3A_252 : i32 to vector<16xi32>
        %gather3A_350 = tpu.vector_load_idx %arg6[%broadcast_in_dim3A_117, %broadcast_in_dim3A_349] : memref<32x32xi32, #tpu.memory_space<vmem>>[vector<16xi32>, vector<16xi32>], vector<16xi32>,
        %slice3A_351 = vector.extract_strided_slice %gather3A_350 {offsets = [0], sizes = [1], strides = [1]} : vector<16xi32> to vector<1xi32>
        %squeeze3A_352 = vector.extract %slice3A_351[0] : i32 from vector<1xi32>
        %mul3A_353 = arith.constant 784 : i32
        %mul3A_354 = arith.muli %add3A_41, %mul3A_353 : i32
        %sub3A_355 = arith.subi %squeeze3A_352, %mul3A_354 : i32
        %mul3A_356 = arith.constant 128 : i32
        %mul3A_357 = arith.muli %sub3A_355, %mul3A_356 : i32
        %add3A_358 = arith.addi %mul3A_357, %select_n3A_268 : i32
        %jit3A_359 = arith.constant 16 : i32
        %div3A_360 = arith.divsi %scan3A_124, %jit3A_359 : i32
        %sign3A_361 = arith.constant 0 : i32
        %sign3A_362 = arith.cmpi sgt, %scan3A_124, %sign3A_361 : i32
        %sign3A_363 = arith.extui %sign3A_362 : i1 to i32
        %sign3A_364 = arith.constant 0 : i32
        %sign3A_365 = arith.cmpi slt, %scan3A_124, %sign3A_364 : i32
        %sign3A_366 = arith.extui %sign3A_365 : i1 to i32
        %sign3A_367 = arith.subi %sign3A_363, %sign3A_366 : i32
        %sign3A_368 = arith.constant 0 : i32
        %sign3A_369 = arith.cmpi sgt, %jit3A_359, %sign3A_368 : i32
        %sign3A_370 = arith.extui %sign3A_369 : i1 to i32
        %sign3A_371 = arith.constant 0 : i32
        %sign3A_372 = arith.cmpi slt, %jit3A_359, %sign3A_371 : i32
        %sign3A_373 = arith.extui %sign3A_372 : i1 to i32
        %sign3A_374 = arith.subi %sign3A_370, %sign3A_373 : i32
        %ne3A_375 = arith.cmpi ne, %sign3A_367, %sign3A_374 : i32
        %rem3A_376 = arith.remsi %scan3A_124, %jit3A_359 : i32
        %ne3A_377 = arith.constant 0 : i32
        %ne3A_378 = arith.cmpi ne, %rem3A_376, %ne3A_377 : i32
        %and3A_379 = arith.andi %ne3A_375, %ne3A_378 : i1
        %sub3A_380 = arith.constant 1 : i32
        %sub3A_381 = arith.subi %div3A_360, %sub3A_380 : i32
        %select_n3A_382 = arith.select %and3A_379, %sub3A_381, %div3A_360 : i32
        %mul3A_383 = arith.constant 16 : i32
        %mul3A_384 = arith.muli %select_n3A_382, %mul3A_383 : i32
        %jit3A_385 = arith.constant 16 : i32
        %eq3A_386 = arith.constant 0 : i32
        %eq3A_387 = arith.cmpi eq, %jit3A_385, %eq3A_386 : i32
        %jit3A_388 = arith.constant 1 : i32
        %select_n3A_389 = arith.select %eq3A_387, %jit3A_388, %jit3A_385 : i32
        %rem3A_390 = arith.remsi %scan3A_124, %select_n3A_389 : i32
        %ne3A_391 = arith.constant 0 : i32
        %ne3A_392 = arith.cmpi ne, %rem3A_390, %ne3A_391 : i32
        %lt3A_393 = arith.constant 0 : i32
        %lt3A_394 = arith.cmpi slt, %rem3A_390, %lt3A_393 : i32
        %lt3A_395 = arith.constant 0 : i32
        %lt3A_396 = arith.cmpi slt, %select_n3A_389, %lt3A_395 : i32
        %ne3A_397 = arith.xori %lt3A_394, %lt3A_396 : i1
        %and3A_398 = arith.andi %ne3A_397, %ne3A_392 : i1
        %add3A_399 = arith.addi %rem3A_390, %select_n3A_389 : i32
        %select_n3A_400 = arith.select %and3A_398, %add3A_399, %rem3A_390 : i32
        %eq3A_401 = vector.broadcast %select_n3A_400 : i32 to vector<16xi32>
        %eq3A_402 = arith.cmpi eq, %iota3A, %eq3A_401 : vector<16xi32>
        %get3A_403 = arith.index_cast %scan3A_38 : i32 to index
        %get3A_404 = arith.index_cast %mul3A_384 : i32 to index
        %get3A_405 = tpu.vector_load %arg10[%get3A_403, %get3A_404] {strides = array<i32>} : memref<32x32xf32, #tpu.memory_space<vmem>>, vector<16xf32>,
        %broadcast_in_dim3A_406 = vector.broadcast %squeeze3A : f32 to vector<16xf32>
        %select_n3A_407 = arith.select %eq3A_402, %broadcast_in_dim3A_406, %get3A_405 : vector<16xi1>, vector<16xf32>
        %swap3A_408 = arith.index_cast %scan3A_38 : i32 to index
        %swap3A_409 = arith.index_cast %mul3A_384 : i32 to index
        %swap3A_410 = tpu.vector_load %arg10[%swap3A_408, %swap3A_409] {strides = array<i32>} : memref<32x32xf32, #tpu.memory_space<vmem>>, vector<16xf32>,
        tpu.vector_store %arg10[%swap3A_408, %swap3A_409], %select_n3A_407 {strides = array<i32>} : memref<32x32xf32, #tpu.memory_space<vmem>>, vector<16xf32>,
        %eq3A_411 = vector.broadcast %select_n3A_400 : i32 to vector<16xi32>
        %eq3A_412 = arith.cmpi eq, %iota3A, %eq3A_411 : vector<16xi32>
        %get3A_413 = arith.index_cast %scan3A_38 : i32 to index
        %get3A_414 = arith.index_cast %mul3A_384 : i32 to index
        %get3A_415 = tpu.vector_load %arg11[%get3A_413, %get3A_414] {strides = array<i32>} : memref<32x32xi32, #tpu.memory_space<vmem>>, vector<16xi32>,
        %broadcast_in_dim3A_416 = vector.broadcast %add3A_358 : i32 to vector<16xi32>
        %select_n3A_417 = arith.select %eq3A_412, %broadcast_in_dim3A_416, %get3A_415 : vector<16xi1>, vector<16xi32>
        %swap3A_418 = arith.index_cast %scan3A_38 : i32 to index
        %swap3A_419 = arith.index_cast %mul3A_384 : i32 to index
        %swap3A_420 = tpu.vector_load %arg11[%swap3A_418, %swap3A_419] {strides = array<i32>} : memref<32x32xi32, #tpu.memory_space<vmem>>, vector<16xi32>,
        tpu.vector_store %arg11[%swap3A_418, %swap3A_419], %select_n3A_417 {strides = array<i32>} : memref<32x32xi32, #tpu.memory_space<vmem>>, vector<16xi32>,
        %mul3A_421 = arith.constant 16 : i32
        %mul3A_422 = arith.muli %select_n3A_316, %mul3A_421 : i32
        %add3A_423 = vector.broadcast %mul3A_422 : i32 to vector<16xi32>
        %add3A_424 = arith.addi %add3A_423, %iota3A : vector<16xi32>
        %mul3A_425 = arith.constant 16 : i32
        %mul3A_426 = vector.broadcast %mul3A_425 : i32 to vector<16xi32>
        %mul3A_427 = arith.muli %add3A_424, %mul3A_426 : vector<16xi32>
        %add3A_428 = vector.broadcast %select_n3A_348 : i32 to vector<16xi32>
        %add3A_429 = arith.addi %mul3A_427, %add3A_428 : vector<16xi32>
        %jit3A_430 = arith.constant 128 : i32
        %div3A_431 = vector.broadcast %jit3A_430 : i32 to vector<16xi32>
        %div3A_432 = arith.divsi %add3A_429, %div3A_431 : vector<16xi32>
        %sign3A_433 = arith.constant 0 : i32
        %sign3A_434 = vector.broadcast %sign3A_433 : i32 to vector<16xi32>
        %sign3A_435 = arith.cmpi sgt, %add3A_429, %sign3A_434 : vector<16xi32>
        %sign3A_436 = arith.extui %sign3A_435 : vector<16xi1> to vector<16xi32>
        %sign3A_437 = arith.constant 0 : i32
        %sign3A_438 = vector.broadcast %sign3A_437 : i32 to vector<16xi32>
        %sign3A_439 = arith.cmpi slt, %add3A_429, %sign3A_438 : vector<16xi32>
        %sign3A_440 = arith.extui %sign3A_439 : vector<16xi1> to vector<16xi32>
        %sign3A_441 = arith.subi %sign3A_436, %sign3A_440 : vector<16xi32>
        %sign3A_442 = arith.constant 0 : i32
        %sign3A_443 = arith.cmpi sgt, %jit3A_430, %sign3A_442 : i32
        %sign3A_444 = arith.extui %sign3A_443 : i1 to i32
        %sign3A_445 = arith.constant 0 : i32
        %sign3A_446 = arith.cmpi slt, %jit3A_430, %sign3A_445 : i32
        %sign3A_447 = arith.extui %sign3A_446 : i1 to i32
        %sign3A_448 = arith.subi %sign3A_444, %sign3A_447 : i32
        %ne3A_449 = vector.broadcast %sign3A_448 : i32 to vector<16xi32>
        %ne3A_450 = arith.cmpi ne, %sign3A_441, %ne3A_449 : vector<16xi32>
        %rem3A_451 = vector.broadcast %jit3A_430 : i32 to vector<16xi32>
        %rem3A_452 = arith.remsi %add3A_429, %rem3A_451 : vector<16xi32>
        %ne3A_453 = arith.constant 0 : i32
        %ne3A_454 = vector.broadcast %ne3A_453 : i32 to vector<16xi32>
        %ne3A_455 = arith.cmpi ne, %rem3A_452, %ne3A_454 : vector<16xi32>
        %and3A_456 = arith.andi %ne3A_450, %ne3A_455 : vector<16xi1>
        %sub3A_457 = arith.constant 1 : i32
        %sub3A_458 = vector.broadcast %sub3A_457 : i32 to vector<16xi32>
        %sub3A_459 = arith.subi %div3A_432, %sub3A_458 : vector<16xi32>
        %select_n3A_460 = arith.select %and3A_456, %sub3A_459, %div3A_432 : vector<16xi1>, vector<16xi32>
        %jit3A_461 = arith.constant 128 : i32
        %eq3A_462 = arith.constant 0 : i32
        %eq3A_463 = arith.cmpi eq, %jit3A_461, %eq3A_462 : i32
        %jit3A_464 = arith.constant 1 : i32
        %select_n3A_465 = arith.select %eq3A_463, %jit3A_464, %jit3A_461 : i32
        %rem3A_466 = vector.broadcast %select_n3A_465 : i32 to vector<16xi32>
        %rem3A_467 = arith.remsi %add3A_429, %rem3A_466 : vector<16xi32>
        %ne3A_468 = arith.constant 0 : i32
        %ne3A_469 = vector.broadcast %ne3A_468 : i32 to vector<16xi32>
        %ne3A_470 = arith.cmpi ne, %rem3A_467, %ne3A_469 : vector<16xi32>
        %lt3A_471 = arith.constant 0 : i32
        %lt3A_472 = vector.broadcast %lt3A_471 : i32 to vector<16xi32>
        %lt3A_473 = arith.cmpi slt, %rem3A_467, %lt3A_472 : vector<16xi32>
        %lt3A_474 = arith.constant 0 : i32
        %lt3A_475 = arith.cmpi slt, %select_n3A_465, %lt3A_474 : i32
        %ne3A_476 = vector.broadcast %lt3A_475 : i1 to vector<16xi1>
        %ne3A_477 = vector.broadcast %ne3A_476 : vector<16xi1> to vector<16xi1>
        %ne3A_478 = arith.xori %lt3A_473, %ne3A_477 : vector<16xi1>
        %and3A_479 = arith.andi %ne3A_478, %ne3A_470 : vector<16xi1>
        %add3A_480 = vector.broadcast %select_n3A_465 : i32 to vector<16xi32>
        %add3A_481 = arith.addi %rem3A_467, %add3A_480 : vector<16xi32>
        %select_n3A_482 = arith.select %and3A_479, %add3A_481, %rem3A_467 : vector<16xi1>, vector<16xi32>
        %gather3A_483 = tpu.vector_load_idx %arg8[%broadcast_in_dim3A_64, %select_n3A_460, %select_n3A_482] : memref<2x32x128xf32, #tpu.memory_space<vmem>>[vector<16xi32>, vector<16xi32>, vector<16xi32>], vector<16xf32>,
        %eq3A_484 = vector.broadcast %select_n3A_332 : i32 to vector<16xi32>
        %eq3A_485 = arith.cmpi eq, %iota3A, %eq3A_484 : vector<16xi32>
        tpu.vector_store_idx %arg8[%broadcast_in_dim3A_64, %select_n3A_460, %select_n3A_482], %broadcast_in_dim3A_3 masked %eq3A_485 : memref<2x32x128xf32, #tpu.memory_space<vmem>>[vector<16xi32>, vector<16xi32>, vector<16xi32>], vector<16xf32>, vector<16xi1>
        %eq3A_486 = vector.broadcast %select_n3A_332 : i32 to vector<16xi32>
        %eq3A_487 = arith.cmpi eq, %iota3A, %eq3A_486 : vector<16xi32>
        %jit3A_488 = arith.constant -3.000000e+38 : f32
        %broadcast_in_dim3A_489 = vector.broadcast %jit3A_488 : f32 to vector<16xf32>
        %select_n3A_490 = arith.select %eq3A_487, %broadcast_in_dim3A_489, %gather3A_483 : vector<16xi1>, vector<16xf32>
        %sort3A_491 = arith.constant dense<true> : vector<16xi1>
        %sort3A_492, %sort3A_493, %sort3A_494 = tpu.sort %select_n3A_490, %select_n3A_490 masked %sort3A_491 : (vector<16xf32>, vector<16xf32>, vector<16xi1>) -> (vector<16xi1>, vector<16xf32>, vector<16xf32>)
        %slice3A_495 = vector.extract_strided_slice %sort3A_493 {offsets = [15], sizes = [1], strides = [1]} : vector<16xf32> to vector<1xf32>
        %squeeze3A_496 = vector.extract %slice3A_495[0] : f32 from vector<1xf32>
        %eq3A_497 = vector.broadcast %select_n3A_348 : i32 to vector<16xi32>
        %eq3A_498 = arith.cmpi eq, %iota3A, %eq3A_497 : vector<16xi32>
        %mul3A_499 = arith.constant 16 : i32
        %mul3A_500 = arith.muli %select_n3A_316, %mul3A_499 : i32
        %get3A_501 = arith.index_cast %mul3A_500 : i32 to index
        %get3A_502 = tpu.vector_load %arg9[%get3A_501] {strides = array<i32>} : memref<256xf32, #tpu.memory_space<vmem>>, vector<16xf32>,
        %broadcast_in_dim3A_503 = vector.broadcast %squeeze3A_496 : f32 to vector<16xf32>
        %select_n3A_504 = arith.select %eq3A_498, %broadcast_in_dim3A_503, %get3A_502 : vector<16xi1>, vector<16xf32>
        %mul3A_505 = arith.constant 16 : i32
        %mul3A_506 = arith.muli %select_n3A_316, %mul3A_505 : i32
        %swap3A_507 = arith.index_cast %mul3A_506 : i32 to index
        %swap3A_508 = tpu.vector_load %arg9[%swap3A_507] {strides = array<i32>} : memref<256xf32, #tpu.memory_space<vmem>>, vector<16xf32>,
        tpu.vector_store %arg9[%swap3A_507], %select_n3A_504 {strides = array<i32>} : memref<256xf32, #tpu.memory_space<vmem>>, vector<16xf32>,
        %mul3A_509 = arith.constant 16 : i32
        %mul3A_510 = vector.broadcast %mul3A_509 : i32 to vector<16xi32>
        %mul3A_511 = arith.muli %iota3A, %mul3A_510 : vector<16xi32>
        %add3A_512 = vector.broadcast %select_n3A_348 : i32 to vector<16xi32>
        %add3A_513 = arith.addi %mul3A_511, %add3A_512 : vector<16xi32>
        %gather3A_514 = tpu.vector_load_idx %arg9[%add3A_513] : memref<256xf32, #tpu.memory_space<vmem>>[vector<16xi32>], vector<16xf32>,
        %eq3A_515 = vector.broadcast %select_n3A_348 : i32 to vector<16xi32>
        %eq3A_516 = arith.cmpi eq, %iota3A, %eq3A_515 : vector<16xi32>
        %sort3A_517 = arith.constant dense<true> : vector<16xi1>
        %sort3A_518, %sort3A_519, %sort3A_520 = tpu.sort %gather3A_514, %gather3A_514 masked %sort3A_517 : (vector<16xf32>, vector<16xf32>, vector<16xi1>) -> (vector<16xi1>, vector<16xf32>, vector<16xf32>)
        %slice3A_521 = vector.extract_strided_slice %sort3A_519 {offsets = [15], sizes = [1], strides = [1]} : vector<16xf32> to vector<1xf32>
        %squeeze3A_522 = vector.extract %slice3A_521[0] : f32 from vector<1xf32>
        %broadcast_in_dim3A_523 = vector.broadcast %squeeze3A_522 : f32 to vector<16xf32>
        %select_n3A_524 = arith.select %eq3A_516, %broadcast_in_dim3A_523, %scan3A_125 : vector<16xi1>, vector<16xf32>
        scf.yield %select_n3A_524 : vector<16xf32>
      }
      %scan3A_123 = arith.constant 32 : i32
    }
    %scan3A_33 = arith.constant 32 : i32
    %mul3A_34 = arith.constant 32 : i32
    %mul3A_35 = arith.muli %add3A, %mul3A_34 : i32
    "tpu.region"() ({
      %run_scoped3A = tpu.sem_alloc : memref<!tpu.dma_semaphore, #tpu.memory_space<semaphore_mem>>
      %dma_start3A_38 = arith.constant 0 : i32
      %dma_start3A_39 = tpu.memref_slice %arg4[%mul3A_35, %dma_start3A_38] : memref<1024x32xf32, #tpu.memory_space<hbm>> -> memref<32x32xf32, #tpu.memory_space<hbm>>
      %dma_start3A_40 = arith.constant 0 : i32
      %dma_start3A_41 = tpu.memref_slice %arg4[%mul3A_35, %dma_start3A_40] : memref<1024x32xf32, #tpu.memory_space<hbm>> -> memref<32x32xf32, #tpu.memory_space<hbm>>
      tpu.enqueue_dma source(%arg10 : memref<32x32xf32, #tpu.memory_space<vmem>>) target(%dma_start3A_41 : memref<32x32xf32, #tpu.memory_space<hbm>>) target_semaphore(%run_scoped3A : memref<!tpu.dma_semaphore, #tpu.memory_space<semaphore_mem>>)
      %dma_wait3A = arith.constant 0 : i32
      %dma_wait3A_42 = tpu.memref_slice %arg4[%mul3A_35, %dma_wait3A] : memref<1024x32xf32, #tpu.memory_space<hbm>> -> memref<32x32xf32, #tpu.memory_space<hbm>>
      %dma_wait3A_43 = arith.constant 0 : i32
      %dma_wait3A_44 = tpu.memref_slice %arg4[%mul3A_35, %dma_wait3A_43] : memref<1024x32xf32, #tpu.memory_space<hbm>> -> memref<32x32xf32, #tpu.memory_space<hbm>>
      tpu.wait_dma2 semaphore(%run_scoped3A : memref<!tpu.dma_semaphore, #tpu.memory_space<semaphore_mem>>) src(%arg10 : memref<32x32xf32, #tpu.memory_space<vmem>>) dst(%dma_wait3A_44 : memref<32x32xf32, #tpu.memory_space<hbm>>)
      tpu.yield
    }) : () -> ()
    %mul3A_36 = arith.constant 32 : i32
    %mul3A_37 = arith.muli %add3A, %mul3A_36 : i32
    "tpu.region"() ({
      %run_scoped3A = tpu.sem_alloc : memref<!tpu.dma_semaphore, #tpu.memory_space<semaphore_mem>>
      %dma_start3A_38 = arith.constant 0 : i32
      %dma_start3A_39 = tpu.memref_slice %arg5[%mul3A_37, %dma_start3A_38] : memref<1024x32xi32, #tpu.memory_space<hbm>> -> memref<32x32xi32, #tpu.memory_space<hbm>>
      %dma_start3A_40 = arith.constant 0 : i32
      %dma_start3A_41 = tpu.memref_slice %arg5[%mul3A_37, %dma_start3A_40] : memref<1024x32xi32, #tpu.memory_space<hbm>> -> memref<32x32xi32, #tpu.memory_space<hbm>>
      tpu.enqueue_dma source(%arg11 : memref<32x32xi32, #tpu.memory_space<vmem>>) target(%dma_start3A_41 : memref<32x32xi32, #tpu.memory_space<hbm>>) target_semaphore(%run_scoped3A : memref<!tpu.dma_semaphore, #tpu.memory_space<semaphore_mem>>)
      %dma_wait3A = arith.constant 0 : i32
      %dma_wait3A_42 = tpu.memref_slice %arg5[%mul3A_37, %dma_wait3A] : memref<1024x32xi32, #tpu.memory_space<hbm>> -> memref<32x32xi32, #tpu.memory_space<hbm>>
      %dma_wait3A_43 = arith.constant 0 : i32
      %dma_wait3A_44 = tpu.memref_slice %arg5[%mul3A_37, %dma_wait3A_43] : memref<1024x32xi32, #tpu.memory_space<hbm>> -> memref<32x32xi32, #tpu.memory_space<hbm>>
      tpu.wait_dma2 semaphore(%run_scoped3A : memref<!tpu.dma_semaphore, #tpu.memory_space<semaphore_mem>>) src(%arg11 : memref<32x32xi32, #tpu.memory_space<vmem>>) dst(%dma_wait3A_44 : memref<32x32xi32, #tpu.memory_space<hbm>>)
      tpu.yield
    }) : () -> ()
    return
  }
}

module attributes {stable_mosaic.version = 14 : i64} {
  func.func @_sim_body(%arg0: i32, %arg1: memref<1024x128xf32, #tpu.memory_space<vmem>>, %arg2: memref<2048x128xf32, #tpu.memory_space<vmem>>, %arg3: memref<1024x2048xf32, #tpu.memory_space<vmem>>, %arg4: memref<1x1024x16xf32, #tpu.memory_space<vmem>>, %arg5: memref<1024x128xf32, #tpu.memory_space<vmem>>) attributes {dimension_semantics = [#tpu.dimension_semantics<arbitrary>], iteration_bounds = array<i64: 49>, scalar_prefetch = 0 : i64, scratch_operands = 1 : i64, tpu.core_type = #tpu.core_type<tc>, window_params = [{pipeline_mode = #tpu.pipeline_mode<synchronous>, transform_indices = @transform_0, window_bounds = array<i64: 1024, 128>}, {transform_indices = @transform_1, window_bounds = array<i64: 2048, 128>}, {transform_indices = @transform_2, window_bounds = array<i64: 1024, 2048>}, {transform_indices = @transform_3, window_bounds = array<i64: 1, 1024, 16>}]} {
    %eq3A = arith.constant 0 : i32
    %eq3A_0 = arith.cmpi eq, %arg0, %eq3A : i32
    %convert_element_type3A = arith.extui %eq3A_0 : i1 to i32
    %cond3A = arith.constant 0 : i32
    %cond3A_1 = arith.cmpi ne, %convert_element_type3A, %cond3A : i32
    scf.if %cond3A_1 {
      %get3A_24 = arith.constant 0 : index
      %get3A_25 = arith.constant 0 : index
      %get3A_26 = vector.load %arg1[%get3A_24, %get3A_25] : memref<1024x128xf32, #tpu.memory_space<vmem>>, vector<1024x128xf32>
      %mul3A_27 = arith.mulf %get3A_26, %get3A_26 : vector<1024x128xf32>
      %reduce_sum3A_28 = arith.constant dense<0.000000e+00> : vector<1024xf32>
      %reduce_sum3A_29 = vector.multi_reduction <add>, %mul3A_27, %reduce_sum3A_28 [1] : vector<1024x128xf32> to vector<1024xf32>
      %broadcast_in_dim3A_30 = vector.shape_cast %reduce_sum3A_29 : vector<1024xf32> to vector<1024x1xf32>
      %sqrt3A_31 = math.sqrt %broadcast_in_dim3A_30 : vector<1024x1xf32>
      %div3A_32 = vector.broadcast %sqrt3A_31 : vector<1024x1xf32> to vector<1024x128xf32>
      %div3A_33 = arith.divf %get3A_26, %div3A_32 : vector<1024x128xf32>
      %swap3A_34 = arith.constant 0 : index
      %swap3A_35 = arith.constant 0 : index
      %swap3A_36 = vector.load %arg5[%swap3A_34, %swap3A_35] : memref<1024x128xf32, #tpu.memory_space<vmem>>, vector<1024x128xf32>
      tpu.vector_store %arg5[%swap3A_34, %swap3A_35], %div3A_33 {strides = array<i32>} : memref<1024x128xf32, #tpu.memory_space<vmem>>, vector<1024x128xf32>,
    } else {
    }
    %get3A = arith.constant 0 : index
    %get3A_2 = arith.constant 0 : index
    %get3A_3 = vector.load %arg2[%get3A, %get3A_2] : memref<2048x128xf32, #tpu.memory_space<vmem>>, vector<2048x128xf32>
    %mul3A = arith.mulf %get3A_3, %get3A_3 : vector<2048x128xf32>
    %reduce_sum3A = arith.constant dense<0.000000e+00> : vector<2048xf32>
    %reduce_sum3A_4 = vector.multi_reduction <add>, %mul3A, %reduce_sum3A [1] : vector<2048x128xf32> to vector<2048xf32>
    %broadcast_in_dim3A = vector.shape_cast %reduce_sum3A_4 : vector<2048xf32> to vector<2048x1xf32>
    %sqrt3A = math.sqrt %broadcast_in_dim3A : vector<2048x1xf32>
    %div3A = vector.broadcast %sqrt3A : vector<2048x1xf32> to vector<2048x128xf32>
    %div3A_5 = arith.divf %get3A_3, %div3A : vector<2048x128xf32>
    %get3A_6 = arith.constant 0 : index
    %get3A_7 = arith.constant 0 : index
    %get3A_8 = vector.load %arg5[%get3A_6, %get3A_7] : memref<1024x128xf32, #tpu.memory_space<vmem>>, vector<1024x128xf32>
    %transpose3A = tpu.transpose %div3A_5, [1, 0] : vector<2048x128xf32> -> vector<128x2048xf32>
    %dot_general3A = arith.constant dense<0.000000e+00> : vector<1024x2048xf32>
    %dot_general3A_9 = tpu.matmul %get3A_8, %transpose3A, %dot_general3A {dimension_numbers = #tpu.dot_dimension_numbers<[1], [0], [0], [1], [0, 0, 1, 1], [], []>, transpose_lhs_hint = false} : vector<1024x128xf32>, vector<128x2048xf32>, vector<1024x2048xf32> -> vector<1024x2048xf32>
    %mul3A_10 = arith.constant 2048 : i32
    %mul3A_11 = arith.muli %arg0, %mul3A_10 : i32
    %iota3A = tpu.iota {dimensions = array<i32: 1>} : vector<1024x2048xi32>
    %add3A = vector.broadcast %mul3A_11 : i32 to vector<1024x2048xi32>
    %add3A_12 = arith.addi %add3A, %iota3A : vector<1024x2048xi32>
    %lt3A = arith.constant 100000 : i32
    %lt3A_13 = vector.broadcast %lt3A : i32 to vector<1024x2048xi32>
    %lt3A_14 = arith.cmpi slt, %add3A_12, %lt3A_13 : vector<1024x2048xi32>
    %jit3A = arith.constant -3.000000e+38 : f32
    %broadcast_in_dim3A_15 = vector.broadcast %jit3A : f32 to vector<1024x2048xf32>
    %select_n3A = arith.select %lt3A_14, %dot_general3A_9, %broadcast_in_dim3A_15 : vector<1024x2048xi1>, vector<1024x2048xf32>
    %swap3A = arith.constant 0 : index
    %swap3A_16 = arith.constant 0 : index
    %swap3A_17 = vector.load %arg3[%swap3A, %swap3A_16] : memref<1024x2048xf32, #tpu.memory_space<vmem>>, vector<1024x2048xf32>
    tpu.vector_store %arg3[%swap3A, %swap3A_16], %select_n3A {strides = array<i32>} : memref<1024x2048xf32, #tpu.memory_space<vmem>>, vector<1024x2048xf32>,
    %reshape3A = vector.shape_cast %select_n3A : vector<1024x2048xf32> to vector<1024x16x128xf32>
    %reduce_max3A = arith.constant dense<0xFF800000> : vector<1024x16xf32>
    %reduce_max3A_18 = vector.multi_reduction <maximumf>, %reshape3A, %reduce_max3A [2] : vector<1024x16x128xf32> to vector<1024x16xf32>
    %broadcast_in_dim3A_19 = vector.shape_cast %reduce_max3A_18 : vector<1024x16xf32> to vector<1x1024x16xf32>
    %swap3A_20 = arith.constant 0 : index
    %swap3A_21 = arith.constant 0 : index
    %swap3A_22 = arith.constant 0 : index
    %swap3A_23 = vector.load %arg4[%swap3A_20, %swap3A_21, %swap3A_22] : memref<1x1024x16xf32, #tpu.memory_space<vmem>>, vector<1x1024x16xf32>
    tpu.vector_store %arg4[%swap3A_20, %swap3A_21, %swap3A_22], %broadcast_in_dim3A_19 {strides = array<i32>} : memref<1x1024x16xf32, #tpu.memory_space<vmem>>, vector<1x1024x16xf32>,
    return
  }
  func.func @transform_0(%arg0: i32) -> (i32, i32) {
    %c0_i32 = arith.constant 0 : i32
    %c0_i32_0 = arith.constant 0 : i32
    %c0_i32_1 = arith.constant 0 : i32
    return %c0_i32, %c0_i32_0 : i32, i32
  }
  func.func @transform_1(%arg0: i32) -> (i32, i32) {
    %c0_i32 = arith.constant 0 : i32
    %c0_i32_0 = arith.constant 0 : i32
    return %arg0, %c0_i32 : i32, i32
  }
  func.func @transform_2(%arg0: i32) -> (i32, i32) {
    %c0_i32 = arith.constant 0 : i32
    %c0_i32_0 = arith.constant 0 : i32
    return %c0_i32, %arg0 : i32, i32
  }
  func.func @transform_3(%arg0: i32) -> (i32, i32, i32) {
    %c0_i32 = arith.constant 0 : i32
    %c0_i32_0 = arith.constant 0 : i32
    %c0_i32_1 = arith.constant 0 : i32
    return %arg0, %c0_i32, %c0_i32_0 : i32, i32, i32
  }
}

module attributes {stable_mosaic.version = 14 : i64} {
  func.func @_chunk_topk_body(%arg0: i32, %arg1: memref<256x784xf32, #tpu.memory_space<vmem>>, %arg2: memref<256x32xi32, #tpu.memory_space<vmem>>) attributes {dimension_semantics = [#tpu.dimension_semantics<arbitrary>], iteration_bounds = array<i64: 4>, scalar_prefetch = 0 : i64, scratch_operands = 0 : i64, tpu.core_type = #tpu.core_type<tc>, window_params = [{transform_indices = @transform_0, window_bounds = array<i64: 256, 784>}, {transform_indices = @transform_1, window_bounds = array<i64: 256, 32>}]} {
    %get3A = arith.constant 0 : index
    %get3A_0 = arith.constant 0 : index
    %get3A_1 = vector.load %arg1[%get3A, %get3A_0] : memref<256x784xf32, #tpu.memory_space<vmem>>, vector<256x784xf32>
    %iota3A = tpu.iota {dimensions = array<i32: 1>} : vector<256x784xi32>
    %mul3A = arith.constant 256 : i32
    %mul3A_2 = arith.muli %arg0, %mul3A : i32
    %iota3A_3 = tpu.iota {dimensions = array<i32: 0>} : vector<256x1xi32>
    %add3A = vector.broadcast %mul3A_2 : i32 to vector<256x1xi32>
    %add3A_4 = arith.addi %add3A, %iota3A_3 : vector<256x1xi32>
    %reduce_max3A = arith.constant dense<0xFF800000> : vector<256xf32>
    %reduce_max3A_5 = vector.multi_reduction <maximumf>, %get3A_1, %reduce_max3A [1] : vector<256x784xf32> to vector<256xf32>
    %broadcast_in_dim3A = vector.shape_cast %reduce_max3A_5 : vector<256xf32> to vector<256x1xf32>
    %eq3A = vector.broadcast %broadcast_in_dim3A : vector<256x1xf32> to vector<256x784xf32>
    %eq3A_6 = arith.cmpf oeq, %get3A_1, %eq3A : vector<256x784xf32>
    %jit3A = arith.constant 1073741824 : i32
    %broadcast_in_dim3A_7 = vector.broadcast %jit3A : i32 to vector<256x784xi32>
    %select_n3A = arith.select %eq3A_6, %iota3A, %broadcast_in_dim3A_7 : vector<256x784xi1>, vector<256x784xi32>
    %reduce_min3A = arith.constant dense<2147483647> : vector<256xi32>
    %reduce_min3A_8 = vector.multi_reduction <minsi>, %select_n3A, %reduce_min3A [1] : vector<256x784xi32> to vector<256xi32>
    %broadcast_in_dim3A_9 = vector.shape_cast %reduce_min3A_8 : vector<256xi32> to vector<256x1xi32>
    %eq3A_10 = vector.broadcast %broadcast_in_dim3A_9 : vector<256x1xi32> to vector<256x784xi32>
    %eq3A_11 = arith.cmpi eq, %iota3A, %eq3A_10 : vector<256x784xi32>
    %jit3A_12 = arith.constant -3.000000e+38 : f32
    %broadcast_in_dim3A_13 = vector.broadcast %jit3A_12 : f32 to vector<256x784xf32>
    %select_n3A_14 = arith.select %eq3A_11, %broadcast_in_dim3A_13, %get3A_1 : vector<256x784xi1>, vector<256x784xf32>
    %reduce_max3A_15 = arith.constant dense<0xFF800000> : vector<256xf32>
    %reduce_max3A_16 = vector.multi_reduction <maximumf>, %select_n3A_14, %reduce_max3A_15 [1] : vector<256x784xf32> to vector<256xf32>
    %broadcast_in_dim3A_17 = vector.shape_cast %reduce_max3A_16 : vector<256xf32> to vector<256x1xf32>
    %eq3A_18 = vector.broadcast %broadcast_in_dim3A_17 : vector<256x1xf32> to vector<256x784xf32>
    %eq3A_19 = arith.cmpf oeq, %select_n3A_14, %eq3A_18 : vector<256x784xf32>
    %jit3A_20 = arith.constant 1073741824 : i32
    %broadcast_in_dim3A_21 = vector.broadcast %jit3A_20 : i32 to vector<256x784xi32>
    %select_n3A_22 = arith.select %eq3A_19, %iota3A, %broadcast_in_dim3A_21 : vector<256x784xi1>, vector<256x784xi32>
    %reduce_min3A_23 = arith.constant dense<2147483647> : vector<256xi32>
    %reduce_min3A_24 = vector.multi_reduction <minsi>, %select_n3A_22, %reduce_min3A_23 [1] : vector<256x784xi32> to vector<256xi32>
    %broadcast_in_dim3A_25 = vector.shape_cast %reduce_min3A_24 : vector<256xi32> to vector<256x1xi32>
    %eq3A_26 = vector.broadcast %broadcast_in_dim3A_25 : vector<256x1xi32> to vector<256x784xi32>
    %eq3A_27 = arith.cmpi eq, %iota3A, %eq3A_26 : vector<256x784xi32>
    %jit3A_28 = arith.constant -3.000000e+38 : f32
    %broadcast_in_dim3A_29 = vector.broadcast %jit3A_28 : f32 to vector<256x784xf32>
    %select_n3A_30 = arith.select %eq3A_27, %broadcast_in_dim3A_29, %select_n3A_14 : vector<256x784xi1>, vector<256x784xf32>
    %reduce_max3A_31 = arith.constant dense<0xFF800000> : vector<256xf32>
    %reduce_max3A_32 = vector.multi_reduction <maximumf>, %select_n3A_30, %reduce_max3A_31 [1] : vector<256x784xf32> to vector<256xf32>
    %broadcast_in_dim3A_33 = vector.shape_cast %reduce_max3A_32 : vector<256xf32> to vector<256x1xf32>
    %eq3A_34 = vector.broadcast %broadcast_in_dim3A_33 : vector<256x1xf32> to vector<256x784xf32>
    %eq3A_35 = arith.cmpf oeq, %select_n3A_30, %eq3A_34 : vector<256x784xf32>
    %jit3A_36 = arith.constant 1073741824 : i32
    %broadcast_in_dim3A_37 = vector.broadcast %jit3A_36 : i32 to vector<256x784xi32>
    %select_n3A_38 = arith.select %eq3A_35, %iota3A, %broadcast_in_dim3A_37 : vector<256x784xi1>, vector<256x784xi32>
    %reduce_min3A_39 = arith.constant dense<2147483647> : vector<256xi32>
    %reduce_min3A_40 = vector.multi_reduction <minsi>, %select_n3A_38, %reduce_min3A_39 [1] : vector<256x784xi32> to vector<256xi32>
    %broadcast_in_dim3A_41 = vector.shape_cast %reduce_min3A_40 : vector<256xi32> to vector<256x1xi32>
    %eq3A_42 = vector.broadcast %broadcast_in_dim3A_41 : vector<256x1xi32> to vector<256x784xi32>
    %eq3A_43 = arith.cmpi eq, %iota3A, %eq3A_42 : vector<256x784xi32>
    %jit3A_44 = arith.constant -3.000000e+38 : f32
    %broadcast_in_dim3A_45 = vector.broadcast %jit3A_44 : f32 to vector<256x784xf32>
    %select_n3A_46 = arith.select %eq3A_43, %broadcast_in_dim3A_45, %select_n3A_30 : vector<256x784xi1>, vector<256x784xf32>
    %reduce_max3A_47 = arith.constant dense<0xFF800000> : vector<256xf32>
    %reduce_max3A_48 = vector.multi_reduction <maximumf>, %select_n3A_46, %reduce_max3A_47 [1] : vector<256x784xf32> to vector<256xf32>
    %broadcast_in_dim3A_49 = vector.shape_cast %reduce_max3A_48 : vector<256xf32> to vector<256x1xf32>
    %eq3A_50 = vector.broadcast %broadcast_in_dim3A_49 : vector<256x1xf32> to vector<256x784xf32>
    %eq3A_51 = arith.cmpf oeq, %select_n3A_46, %eq3A_50 : vector<256x784xf32>
    %jit3A_52 = arith.constant 1073741824 : i32
    %broadcast_in_dim3A_53 = vector.broadcast %jit3A_52 : i32 to vector<256x784xi32>
    %select_n3A_54 = arith.select %eq3A_51, %iota3A, %broadcast_in_dim3A_53 : vector<256x784xi1>, vector<256x784xi32>
    %reduce_min3A_55 = arith.constant dense<2147483647> : vector<256xi32>
    %reduce_min3A_56 = vector.multi_reduction <minsi>, %select_n3A_54, %reduce_min3A_55 [1] : vector<256x784xi32> to vector<256xi32>
    %broadcast_in_dim3A_57 = vector.shape_cast %reduce_min3A_56 : vector<256xi32> to vector<256x1xi32>
    %eq3A_58 = vector.broadcast %broadcast_in_dim3A_57 : vector<256x1xi32> to vector<256x784xi32>
    %eq3A_59 = arith.cmpi eq, %iota3A, %eq3A_58 : vector<256x784xi32>
    %jit3A_60 = arith.constant -3.000000e+38 : f32
    %broadcast_in_dim3A_61 = vector.broadcast %jit3A_60 : f32 to vector<256x784xf32>
    %select_n3A_62 = arith.select %eq3A_59, %broadcast_in_dim3A_61, %select_n3A_46 : vector<256x784xi1>, vector<256x784xf32>
    %reduce_max3A_63 = arith.constant dense<0xFF800000> : vector<256xf32>
    %reduce_max3A_64 = vector.multi_reduction <maximumf>, %select_n3A_62, %reduce_max3A_63 [1] : vector<256x784xf32> to vector<256xf32>
    %broadcast_in_dim3A_65 = vector.shape_cast %reduce_max3A_64 : vector<256xf32> to vector<256x1xf32>
    %eq3A_66 = vector.broadcast %broadcast_in_dim3A_65 : vector<256x1xf32> to vector<256x784xf32>
    %eq3A_67 = arith.cmpf oeq, %select_n3A_62, %eq3A_66 : vector<256x784xf32>
    %jit3A_68 = arith.constant 1073741824 : i32
    %broadcast_in_dim3A_69 = vector.broadcast %jit3A_68 : i32 to vector<256x784xi32>
    %select_n3A_70 = arith.select %eq3A_67, %iota3A, %broadcast_in_dim3A_69 : vector<256x784xi1>, vector<256x784xi32>
    %reduce_min3A_71 = arith.constant dense<2147483647> : vector<256xi32>
    %reduce_min3A_72 = vector.multi_reduction <minsi>, %select_n3A_70, %reduce_min3A_71 [1] : vector<256x784xi32> to vector<256xi32>
    %broadcast_in_dim3A_73 = vector.shape_cast %reduce_min3A_72 : vector<256xi32> to vector<256x1xi32>
    %eq3A_74 = vector.broadcast %broadcast_in_dim3A_73 : vector<256x1xi32> to vector<256x784xi32>
    %eq3A_75 = arith.cmpi eq, %iota3A, %eq3A_74 : vector<256x784xi32>
    %jit3A_76 = arith.constant -3.000000e+38 : f32
    %broadcast_in_dim3A_77 = vector.broadcast %jit3A_76 : f32 to vector<256x784xf32>
    %select_n3A_78 = arith.select %eq3A_75, %broadcast_in_dim3A_77, %select_n3A_62 : vector<256x784xi1>, vector<256x784xf32>
    %reduce_max3A_79 = arith.constant dense<0xFF800000> : vector<256xf32>
    %reduce_max3A_80 = vector.multi_reduction <maximumf>, %select_n3A_78, %reduce_max3A_79 [1] : vector<256x784xf32> to vector<256xf32>
    %broadcast_in_dim3A_81 = vector.shape_cast %reduce_max3A_80 : vector<256xf32> to vector<256x1xf32>
    %eq3A_82 = vector.broadcast %broadcast_in_dim3A_81 : vector<256x1xf32> to vector<256x784xf32>
    %eq3A_83 = arith.cmpf oeq, %select_n3A_78, %eq3A_82 : vector<256x784xf32>
    %jit3A_84 = arith.constant 1073741824 : i32
    %broadcast_in_dim3A_85 = vector.broadcast %jit3A_84 : i32 to vector<256x784xi32>
    %select_n3A_86 = arith.select %eq3A_83, %iota3A, %broadcast_in_dim3A_85 : vector<256x784xi1>, vector<256x784xi32>
    %reduce_min3A_87 = arith.constant dense<2147483647> : vector<256xi32>
    %reduce_min3A_88 = vector.multi_reduction <minsi>, %select_n3A_86, %reduce_min3A_87 [1] : vector<256x784xi32> to vector<256xi32>
    %broadcast_in_dim3A_89 = vector.shape_cast %reduce_min3A_88 : vector<256xi32> to vector<256x1xi32>
    %eq3A_90 = vector.broadcast %broadcast_in_dim3A_89 : vector<256x1xi32> to vector<256x784xi32>
    %eq3A_91 = arith.cmpi eq, %iota3A, %eq3A_90 : vector<256x784xi32>
    %jit3A_92 = arith.constant -3.000000e+38 : f32
    %broadcast_in_dim3A_93 = vector.broadcast %jit3A_92 : f32 to vector<256x784xf32>
    %select_n3A_94 = arith.select %eq3A_91, %broadcast_in_dim3A_93, %select_n3A_78 : vector<256x784xi1>, vector<256x784xf32>
    %reduce_max3A_95 = arith.constant dense<0xFF800000> : vector<256xf32>
    %reduce_max3A_96 = vector.multi_reduction <maximumf>, %select_n3A_94, %reduce_max3A_95 [1] : vector<256x784xf32> to vector<256xf32>
    %broadcast_in_dim3A_97 = vector.shape_cast %reduce_max3A_96 : vector<256xf32> to vector<256x1xf32>
    %eq3A_98 = vector.broadcast %broadcast_in_dim3A_97 : vector<256x1xf32> to vector<256x784xf32>
    %eq3A_99 = arith.cmpf oeq, %select_n3A_94, %eq3A_98 : vector<256x784xf32>
    %jit3A_100 = arith.constant 1073741824 : i32
    %broadcast_in_dim3A_101 = vector.broadcast %jit3A_100 : i32 to vector<256x784xi32>
    %select_n3A_102 = arith.select %eq3A_99, %iota3A, %broadcast_in_dim3A_101 : vector<256x784xi1>, vector<256x784xi32>
    %reduce_min3A_103 = arith.constant dense<2147483647> : vector<256xi32>
    %reduce_min3A_104 = vector.multi_reduction <minsi>, %select_n3A_102, %reduce_min3A_103 [1] : vector<256x784xi32> to vector<256xi32>
    %broadcast_in_dim3A_105 = vector.shape_cast %reduce_min3A_104 : vector<256xi32> to vector<256x1xi32>
    %eq3A_106 = vector.broadcast %broadcast_in_dim3A_105 : vector<256x1xi32> to vector<256x784xi32>
    %eq3A_107 = arith.cmpi eq, %iota3A, %eq3A_106 : vector<256x784xi32>
    %jit3A_108 = arith.constant -3.000000e+38 : f32
    %broadcast_in_dim3A_109 = vector.broadcast %jit3A_108 : f32 to vector<256x784xf32>
    %select_n3A_110 = arith.select %eq3A_107, %broadcast_in_dim3A_109, %select_n3A_94 : vector<256x784xi1>, vector<256x784xf32>
    %reduce_max3A_111 = arith.constant dense<0xFF800000> : vector<256xf32>
    %reduce_max3A_112 = vector.multi_reduction <maximumf>, %select_n3A_110, %reduce_max3A_111 [1] : vector<256x784xf32> to vector<256xf32>
    %broadcast_in_dim3A_113 = vector.shape_cast %reduce_max3A_112 : vector<256xf32> to vector<256x1xf32>
    %eq3A_114 = vector.broadcast %broadcast_in_dim3A_113 : vector<256x1xf32> to vector<256x784xf32>
    %eq3A_115 = arith.cmpf oeq, %select_n3A_110, %eq3A_114 : vector<256x784xf32>
    %jit3A_116 = arith.constant 1073741824 : i32
    %broadcast_in_dim3A_117 = vector.broadcast %jit3A_116 : i32 to vector<256x784xi32>
    %select_n3A_118 = arith.select %eq3A_115, %iota3A, %broadcast_in_dim3A_117 : vector<256x784xi1>, vector<256x784xi32>
    %reduce_min3A_119 = arith.constant dense<2147483647> : vector<256xi32>
    %reduce_min3A_120 = vector.multi_reduction <minsi>, %select_n3A_118, %reduce_min3A_119 [1] : vector<256x784xi32> to vector<256xi32>
    %broadcast_in_dim3A_121 = vector.shape_cast %reduce_min3A_120 : vector<256xi32> to vector<256x1xi32>
    %eq3A_122 = vector.broadcast %broadcast_in_dim3A_121 : vector<256x1xi32> to vector<256x784xi32>
    %eq3A_123 = arith.cmpi eq, %iota3A, %eq3A_122 : vector<256x784xi32>
    %jit3A_124 = arith.constant -3.000000e+38 : f32
    %broadcast_in_dim3A_125 = vector.broadcast %jit3A_124 : f32 to vector<256x784xf32>
    %select_n3A_126 = arith.select %eq3A_123, %broadcast_in_dim3A_125, %select_n3A_110 : vector<256x784xi1>, vector<256x784xf32>
    %reduce_max3A_127 = arith.constant dense<0xFF800000> : vector<256xf32>
    %reduce_max3A_128 = vector.multi_reduction <maximumf>, %select_n3A_126, %reduce_max3A_127 [1] : vector<256x784xf32> to vector<256xf32>
    %broadcast_in_dim3A_129 = vector.shape_cast %reduce_max3A_128 : vector<256xf32> to vector<256x1xf32>
    %eq3A_130 = vector.broadcast %broadcast_in_dim3A_129 : vector<256x1xf32> to vector<256x784xf32>
    %eq3A_131 = arith.cmpf oeq, %select_n3A_126, %eq3A_130 : vector<256x784xf32>
    %jit3A_132 = arith.constant 1073741824 : i32
    %broadcast_in_dim3A_133 = vector.broadcast %jit3A_132 : i32 to vector<256x784xi32>
    %select_n3A_134 = arith.select %eq3A_131, %iota3A, %broadcast_in_dim3A_133 : vector<256x784xi1>, vector<256x784xi32>
    %reduce_min3A_135 = arith.constant dense<2147483647> : vector<256xi32>
    %reduce_min3A_136 = vector.multi_reduction <minsi>, %select_n3A_134, %reduce_min3A_135 [1] : vector<256x784xi32> to vector<256xi32>
    %broadcast_in_dim3A_137 = vector.shape_cast %reduce_min3A_136 : vector<256xi32> to vector<256x1xi32>
    %eq3A_138 = vector.broadcast %broadcast_in_dim3A_137 : vector<256x1xi32> to vector<256x784xi32>
    %eq3A_139 = arith.cmpi eq, %iota3A, %eq3A_138 : vector<256x784xi32>
    %jit3A_140 = arith.constant -3.000000e+38 : f32
    %broadcast_in_dim3A_141 = vector.broadcast %jit3A_140 : f32 to vector<256x784xf32>
    %select_n3A_142 = arith.select %eq3A_139, %broadcast_in_dim3A_141, %select_n3A_126 : vector<256x784xi1>, vector<256x784xf32>
    %reduce_max3A_143 = arith.constant dense<0xFF800000> : vector<256xf32>
    %reduce_max3A_144 = vector.multi_reduction <maximumf>, %select_n3A_142, %reduce_max3A_143 [1] : vector<256x784xf32> to vector<256xf32>
    %broadcast_in_dim3A_145 = vector.shape_cast %reduce_max3A_144 : vector<256xf32> to vector<256x1xf32>
    %eq3A_146 = vector.broadcast %broadcast_in_dim3A_145 : vector<256x1xf32> to vector<256x784xf32>
    %eq3A_147 = arith.cmpf oeq, %select_n3A_142, %eq3A_146 : vector<256x784xf32>
    %jit3A_148 = arith.constant 1073741824 : i32
    %broadcast_in_dim3A_149 = vector.broadcast %jit3A_148 : i32 to vector<256x784xi32>
    %select_n3A_150 = arith.select %eq3A_147, %iota3A, %broadcast_in_dim3A_149 : vector<256x784xi1>, vector<256x784xi32>
    %reduce_min3A_151 = arith.constant dense<2147483647> : vector<256xi32>
    %reduce_min3A_152 = vector.multi_reduction <minsi>, %select_n3A_150, %reduce_min3A_151 [1] : vector<256x784xi32> to vector<256xi32>
    %broadcast_in_dim3A_153 = vector.shape_cast %reduce_min3A_152 : vector<256xi32> to vector<256x1xi32>
    %eq3A_154 = vector.broadcast %broadcast_in_dim3A_153 : vector<256x1xi32> to vector<256x784xi32>
    %eq3A_155 = arith.cmpi eq, %iota3A, %eq3A_154 : vector<256x784xi32>
    %jit3A_156 = arith.constant -3.000000e+38 : f32
    %broadcast_in_dim3A_157 = vector.broadcast %jit3A_156 : f32 to vector<256x784xf32>
    %select_n3A_158 = arith.select %eq3A_155, %broadcast_in_dim3A_157, %select_n3A_142 : vector<256x784xi1>, vector<256x784xf32>
    %reduce_max3A_159 = arith.constant dense<0xFF800000> : vector<256xf32>
    %reduce_max3A_160 = vector.multi_reduction <maximumf>, %select_n3A_158, %reduce_max3A_159 [1] : vector<256x784xf32> to vector<256xf32>
    %broadcast_in_dim3A_161 = vector.shape_cast %reduce_max3A_160 : vector<256xf32> to vector<256x1xf32>
    %eq3A_162 = vector.broadcast %broadcast_in_dim3A_161 : vector<256x1xf32> to vector<256x784xf32>
    %eq3A_163 = arith.cmpf oeq, %select_n3A_158, %eq3A_162 : vector<256x784xf32>
    %jit3A_164 = arith.constant 1073741824 : i32
    %broadcast_in_dim3A_165 = vector.broadcast %jit3A_164 : i32 to vector<256x784xi32>
    %select_n3A_166 = arith.select %eq3A_163, %iota3A, %broadcast_in_dim3A_165 : vector<256x784xi1>, vector<256x784xi32>
    %reduce_min3A_167 = arith.constant dense<2147483647> : vector<256xi32>
    %reduce_min3A_168 = vector.multi_reduction <minsi>, %select_n3A_166, %reduce_min3A_167 [1] : vector<256x784xi32> to vector<256xi32>
    %broadcast_in_dim3A_169 = vector.shape_cast %reduce_min3A_168 : vector<256xi32> to vector<256x1xi32>
    %eq3A_170 = vector.broadcast %broadcast_in_dim3A_169 : vector<256x1xi32> to vector<256x784xi32>
    %eq3A_171 = arith.cmpi eq, %iota3A, %eq3A_170 : vector<256x784xi32>
    %jit3A_172 = arith.constant -3.000000e+38 : f32
    %broadcast_in_dim3A_173 = vector.broadcast %jit3A_172 : f32 to vector<256x784xf32>
    %select_n3A_174 = arith.select %eq3A_171, %broadcast_in_dim3A_173, %select_n3A_158 : vector<256x784xi1>, vector<256x784xf32>
    %reduce_max3A_175 = arith.constant dense<0xFF800000> : vector<256xf32>
    %reduce_max3A_176 = vector.multi_reduction <maximumf>, %select_n3A_174, %reduce_max3A_175 [1] : vector<256x784xf32> to vector<256xf32>
    %broadcast_in_dim3A_177 = vector.shape_cast %reduce_max3A_176 : vector<256xf32> to vector<256x1xf32>
    %eq3A_178 = vector.broadcast %broadcast_in_dim3A_177 : vector<256x1xf32> to vector<256x784xf32>
    %eq3A_179 = arith.cmpf oeq, %select_n3A_174, %eq3A_178 : vector<256x784xf32>
    %jit3A_180 = arith.constant 1073741824 : i32
    %broadcast_in_dim3A_181 = vector.broadcast %jit3A_180 : i32 to vector<256x784xi32>
    %select_n3A_182 = arith.select %eq3A_179, %iota3A, %broadcast_in_dim3A_181 : vector<256x784xi1>, vector<256x784xi32>
    %reduce_min3A_183 = arith.constant dense<2147483647> : vector<256xi32>
    %reduce_min3A_184 = vector.multi_reduction <minsi>, %select_n3A_182, %reduce_min3A_183 [1] : vector<256x784xi32> to vector<256xi32>
    %broadcast_in_dim3A_185 = vector.shape_cast %reduce_min3A_184 : vector<256xi32> to vector<256x1xi32>
    %eq3A_186 = vector.broadcast %broadcast_in_dim3A_185 : vector<256x1xi32> to vector<256x784xi32>
    %eq3A_187 = arith.cmpi eq, %iota3A, %eq3A_186 : vector<256x784xi32>
    %jit3A_188 = arith.constant -3.000000e+38 : f32
    %broadcast_in_dim3A_189 = vector.broadcast %jit3A_188 : f32 to vector<256x784xf32>
    %select_n3A_190 = arith.select %eq3A_187, %broadcast_in_dim3A_189, %select_n3A_174 : vector<256x784xi1>, vector<256x784xf32>
    %reduce_max3A_191 = arith.constant dense<0xFF800000> : vector<256xf32>
    %reduce_max3A_192 = vector.multi_reduction <maximumf>, %select_n3A_190, %reduce_max3A_191 [1] : vector<256x784xf32> to vector<256xf32>
    %broadcast_in_dim3A_193 = vector.shape_cast %reduce_max3A_192 : vector<256xf32> to vector<256x1xf32>
    %eq3A_194 = vector.broadcast %broadcast_in_dim3A_193 : vector<256x1xf32> to vector<256x784xf32>
    %eq3A_195 = arith.cmpf oeq, %select_n3A_190, %eq3A_194 : vector<256x784xf32>
    %jit3A_196 = arith.constant 1073741824 : i32
    %broadcast_in_dim3A_197 = vector.broadcast %jit3A_196 : i32 to vector<256x784xi32>
    %select_n3A_198 = arith.select %eq3A_195, %iota3A, %broadcast_in_dim3A_197 : vector<256x784xi1>, vector<256x784xi32>
    %reduce_min3A_199 = arith.constant dense<2147483647> : vector<256xi32>
    %reduce_min3A_200 = vector.multi_reduction <minsi>, %select_n3A_198, %reduce_min3A_199 [1] : vector<256x784xi32> to vector<256xi32>
    %broadcast_in_dim3A_201 = vector.shape_cast %reduce_min3A_200 : vector<256xi32> to vector<256x1xi32>
    %eq3A_202 = vector.broadcast %broadcast_in_dim3A_201 : vector<256x1xi32> to vector<256x784xi32>
    %eq3A_203 = arith.cmpi eq, %iota3A, %eq3A_202 : vector<256x784xi32>
    %jit3A_204 = arith.constant -3.000000e+38 : f32
    %broadcast_in_dim3A_205 = vector.broadcast %jit3A_204 : f32 to vector<256x784xf32>
    %select_n3A_206 = arith.select %eq3A_203, %broadcast_in_dim3A_205, %select_n3A_190 : vector<256x784xi1>, vector<256x784xf32>
    %reduce_max3A_207 = arith.constant dense<0xFF800000> : vector<256xf32>
    %reduce_max3A_208 = vector.multi_reduction <maximumf>, %select_n3A_206, %reduce_max3A_207 [1] : vector<256x784xf32> to vector<256xf32>
    %broadcast_in_dim3A_209 = vector.shape_cast %reduce_max3A_208 : vector<256xf32> to vector<256x1xf32>
    %eq3A_210 = vector.broadcast %broadcast_in_dim3A_209 : vector<256x1xf32> to vector<256x784xf32>
    %eq3A_211 = arith.cmpf oeq, %select_n3A_206, %eq3A_210 : vector<256x784xf32>
    %jit3A_212 = arith.constant 1073741824 : i32
    %broadcast_in_dim3A_213 = vector.broadcast %jit3A_212 : i32 to vector<256x784xi32>
    %select_n3A_214 = arith.select %eq3A_211, %iota3A, %broadcast_in_dim3A_213 : vector<256x784xi1>, vector<256x784xi32>
    %reduce_min3A_215 = arith.constant dense<2147483647> : vector<256xi32>
    %reduce_min3A_216 = vector.multi_reduction <minsi>, %select_n3A_214, %reduce_min3A_215 [1] : vector<256x784xi32> to vector<256xi32>
    %broadcast_in_dim3A_217 = vector.shape_cast %reduce_min3A_216 : vector<256xi32> to vector<256x1xi32>
    %eq3A_218 = vector.broadcast %broadcast_in_dim3A_217 : vector<256x1xi32> to vector<256x784xi32>
    %eq3A_219 = arith.cmpi eq, %iota3A, %eq3A_218 : vector<256x784xi32>
    %jit3A_220 = arith.constant -3.000000e+38 : f32
    %broadcast_in_dim3A_221 = vector.broadcast %jit3A_220 : f32 to vector<256x784xf32>
    %select_n3A_222 = arith.select %eq3A_219, %broadcast_in_dim3A_221, %select_n3A_206 : vector<256x784xi1>, vector<256x784xf32>
    %reduce_max3A_223 = arith.constant dense<0xFF800000> : vector<256xf32>
    %reduce_max3A_224 = vector.multi_reduction <maximumf>, %select_n3A_222, %reduce_max3A_223 [1] : vector<256x784xf32> to vector<256xf32>
    %broadcast_in_dim3A_225 = vector.shape_cast %reduce_max3A_224 : vector<256xf32> to vector<256x1xf32>
    %eq3A_226 = vector.broadcast %broadcast_in_dim3A_225 : vector<256x1xf32> to vector<256x784xf32>
    %eq3A_227 = arith.cmpf oeq, %select_n3A_222, %eq3A_226 : vector<256x784xf32>
    %jit3A_228 = arith.constant 1073741824 : i32
    %broadcast_in_dim3A_229 = vector.broadcast %jit3A_228 : i32 to vector<256x784xi32>
    %select_n3A_230 = arith.select %eq3A_227, %iota3A, %broadcast_in_dim3A_229 : vector<256x784xi1>, vector<256x784xi32>
    %reduce_min3A_231 = arith.constant dense<2147483647> : vector<256xi32>
    %reduce_min3A_232 = vector.multi_reduction <minsi>, %select_n3A_230, %reduce_min3A_231 [1] : vector<256x784xi32> to vector<256xi32>
    %broadcast_in_dim3A_233 = vector.shape_cast %reduce_min3A_232 : vector<256xi32> to vector<256x1xi32>
    %eq3A_234 = vector.broadcast %broadcast_in_dim3A_233 : vector<256x1xi32> to vector<256x784xi32>
    %eq3A_235 = arith.cmpi eq, %iota3A, %eq3A_234 : vector<256x784xi32>
    %jit3A_236 = arith.constant -3.000000e+38 : f32
    %broadcast_in_dim3A_237 = vector.broadcast %jit3A_236 : f32 to vector<256x784xf32>
    %select_n3A_238 = arith.select %eq3A_235, %broadcast_in_dim3A_237, %select_n3A_222 : vector<256x784xi1>, vector<256x784xf32>
    %reduce_max3A_239 = arith.constant dense<0xFF800000> : vector<256xf32>
    %reduce_max3A_240 = vector.multi_reduction <maximumf>, %select_n3A_238, %reduce_max3A_239 [1] : vector<256x784xf32> to vector<256xf32>
    %broadcast_in_dim3A_241 = vector.shape_cast %reduce_max3A_240 : vector<256xf32> to vector<256x1xf32>
    %eq3A_242 = vector.broadcast %broadcast_in_dim3A_241 : vector<256x1xf32> to vector<256x784xf32>
    %eq3A_243 = arith.cmpf oeq, %select_n3A_238, %eq3A_242 : vector<256x784xf32>
    %jit3A_244 = arith.constant 1073741824 : i32
    %broadcast_in_dim3A_245 = vector.broadcast %jit3A_244 : i32 to vector<256x784xi32>
    %select_n3A_246 = arith.select %eq3A_243, %iota3A, %broadcast_in_dim3A_245 : vector<256x784xi1>, vector<256x784xi32>
    %reduce_min3A_247 = arith.constant dense<2147483647> : vector<256xi32>
    %reduce_min3A_248 = vector.multi_reduction <minsi>, %select_n3A_246, %reduce_min3A_247 [1] : vector<256x784xi32> to vector<256xi32>
    %broadcast_in_dim3A_249 = vector.shape_cast %reduce_min3A_248 : vector<256xi32> to vector<256x1xi32>
    %eq3A_250 = vector.broadcast %broadcast_in_dim3A_249 : vector<256x1xi32> to vector<256x784xi32>
    %eq3A_251 = arith.cmpi eq, %iota3A, %eq3A_250 : vector<256x784xi32>
    %jit3A_252 = arith.constant -3.000000e+38 : f32
    %broadcast_in_dim3A_253 = vector.broadcast %jit3A_252 : f32 to vector<256x784xf32>
    %select_n3A_254 = arith.select %eq3A_251, %broadcast_in_dim3A_253, %select_n3A_238 : vector<256x784xi1>, vector<256x784xf32>
    %reduce_max3A_255 = arith.constant dense<0xFF800000> : vector<256xf32>
    %reduce_max3A_256 = vector.multi_reduction <maximumf>, %select_n3A_254, %reduce_max3A_255 [1] : vector<256x784xf32> to vector<256xf32>
    %broadcast_in_dim3A_257 = vector.shape_cast %reduce_max3A_256 : vector<256xf32> to vector<256x1xf32>
    %eq3A_258 = vector.broadcast %broadcast_in_dim3A_257 : vector<256x1xf32> to vector<256x784xf32>
    %eq3A_259 = arith.cmpf oeq, %select_n3A_254, %eq3A_258 : vector<256x784xf32>
    %jit3A_260 = arith.constant 1073741824 : i32
    %broadcast_in_dim3A_261 = vector.broadcast %jit3A_260 : i32 to vector<256x784xi32>
    %select_n3A_262 = arith.select %eq3A_259, %iota3A, %broadcast_in_dim3A_261 : vector<256x784xi1>, vector<256x784xi32>
    %reduce_min3A_263 = arith.constant dense<2147483647> : vector<256xi32>
    %reduce_min3A_264 = vector.multi_reduction <minsi>, %select_n3A_262, %reduce_min3A_263 [1] : vector<256x784xi32> to vector<256xi32>
    %broadcast_in_dim3A_265 = vector.shape_cast %reduce_min3A_264 : vector<256xi32> to vector<256x1xi32>
    %eq3A_266 = vector.broadcast %broadcast_in_dim3A_265 : vector<256x1xi32> to vector<256x784xi32>
    %eq3A_267 = arith.cmpi eq, %iota3A, %eq3A_266 : vector<256x784xi32>
    %jit3A_268 = arith.constant -3.000000e+38 : f32
    %broadcast_in_dim3A_269 = vector.broadcast %jit3A_268 : f32 to vector<256x784xf32>
    %select_n3A_270 = arith.select %eq3A_267, %broadcast_in_dim3A_269, %select_n3A_254 : vector<256x784xi1>, vector<256x784xf32>
    %reduce_max3A_271 = arith.constant dense<0xFF800000> : vector<256xf32>
    %reduce_max3A_272 = vector.multi_reduction <maximumf>, %select_n3A_270, %reduce_max3A_271 [1] : vector<256x784xf32> to vector<256xf32>
    %broadcast_in_dim3A_273 = vector.shape_cast %reduce_max3A_272 : vector<256xf32> to vector<256x1xf32>
    %eq3A_274 = vector.broadcast %broadcast_in_dim3A_273 : vector<256x1xf32> to vector<256x784xf32>
    %eq3A_275 = arith.cmpf oeq, %select_n3A_270, %eq3A_274 : vector<256x784xf32>
    %jit3A_276 = arith.constant 1073741824 : i32
    %broadcast_in_dim3A_277 = vector.broadcast %jit3A_276 : i32 to vector<256x784xi32>
    %select_n3A_278 = arith.select %eq3A_275, %iota3A, %broadcast_in_dim3A_277 : vector<256x784xi1>, vector<256x784xi32>
    %reduce_min3A_279 = arith.constant dense<2147483647> : vector<256xi32>
    %reduce_min3A_280 = vector.multi_reduction <minsi>, %select_n3A_278, %reduce_min3A_279 [1] : vector<256x784xi32> to vector<256xi32>
    %broadcast_in_dim3A_281 = vector.shape_cast %reduce_min3A_280 : vector<256xi32> to vector<256x1xi32>
    %eq3A_282 = vector.broadcast %broadcast_in_dim3A_281 : vector<256x1xi32> to vector<256x784xi32>
    %eq3A_283 = arith.cmpi eq, %iota3A, %eq3A_282 : vector<256x784xi32>
    %jit3A_284 = arith.constant -3.000000e+38 : f32
    %broadcast_in_dim3A_285 = vector.broadcast %jit3A_284 : f32 to vector<256x784xf32>
    %select_n3A_286 = arith.select %eq3A_283, %broadcast_in_dim3A_285, %select_n3A_270 : vector<256x784xi1>, vector<256x784xf32>
    %reduce_max3A_287 = arith.constant dense<0xFF800000> : vector<256xf32>
    %reduce_max3A_288 = vector.multi_reduction <maximumf>, %select_n3A_286, %reduce_max3A_287 [1] : vector<256x784xf32> to vector<256xf32>
    %broadcast_in_dim3A_289 = vector.shape_cast %reduce_max3A_288 : vector<256xf32> to vector<256x1xf32>
    %eq3A_290 = vector.broadcast %broadcast_in_dim3A_289 : vector<256x1xf32> to vector<256x784xf32>
    %eq3A_291 = arith.cmpf oeq, %select_n3A_286, %eq3A_290 : vector<256x784xf32>
    %jit3A_292 = arith.constant 1073741824 : i32
    %broadcast_in_dim3A_293 = vector.broadcast %jit3A_292 : i32 to vector<256x784xi32>
    %select_n3A_294 = arith.select %eq3A_291, %iota3A, %broadcast_in_dim3A_293 : vector<256x784xi1>, vector<256x784xi32>
    %reduce_min3A_295 = arith.constant dense<2147483647> : vector<256xi32>
    %reduce_min3A_296 = vector.multi_reduction <minsi>, %select_n3A_294, %reduce_min3A_295 [1] : vector<256x784xi32> to vector<256xi32>
    %broadcast_in_dim3A_297 = vector.shape_cast %reduce_min3A_296 : vector<256xi32> to vector<256x1xi32>
    %eq3A_298 = vector.broadcast %broadcast_in_dim3A_297 : vector<256x1xi32> to vector<256x784xi32>
    %eq3A_299 = arith.cmpi eq, %iota3A, %eq3A_298 : vector<256x784xi32>
    %jit3A_300 = arith.constant -3.000000e+38 : f32
    %broadcast_in_dim3A_301 = vector.broadcast %jit3A_300 : f32 to vector<256x784xf32>
    %select_n3A_302 = arith.select %eq3A_299, %broadcast_in_dim3A_301, %select_n3A_286 : vector<256x784xi1>, vector<256x784xf32>
    %reduce_max3A_303 = arith.constant dense<0xFF800000> : vector<256xf32>
    %reduce_max3A_304 = vector.multi_reduction <maximumf>, %select_n3A_302, %reduce_max3A_303 [1] : vector<256x784xf32> to vector<256xf32>
    %broadcast_in_dim3A_305 = vector.shape_cast %reduce_max3A_304 : vector<256xf32> to vector<256x1xf32>
    %eq3A_306 = vector.broadcast %broadcast_in_dim3A_305 : vector<256x1xf32> to vector<256x784xf32>
    %eq3A_307 = arith.cmpf oeq, %select_n3A_302, %eq3A_306 : vector<256x784xf32>
    %jit3A_308 = arith.constant 1073741824 : i32
    %broadcast_in_dim3A_309 = vector.broadcast %jit3A_308 : i32 to vector<256x784xi32>
    %select_n3A_310 = arith.select %eq3A_307, %iota3A, %broadcast_in_dim3A_309 : vector<256x784xi1>, vector<256x784xi32>
    %reduce_min3A_311 = arith.constant dense<2147483647> : vector<256xi32>
    %reduce_min3A_312 = vector.multi_reduction <minsi>, %select_n3A_310, %reduce_min3A_311 [1] : vector<256x784xi32> to vector<256xi32>
    %broadcast_in_dim3A_313 = vector.shape_cast %reduce_min3A_312 : vector<256xi32> to vector<256x1xi32>
    %eq3A_314 = vector.broadcast %broadcast_in_dim3A_313 : vector<256x1xi32> to vector<256x784xi32>
    %eq3A_315 = arith.cmpi eq, %iota3A, %eq3A_314 : vector<256x784xi32>
    %jit3A_316 = arith.constant -3.000000e+38 : f32
    %broadcast_in_dim3A_317 = vector.broadcast %jit3A_316 : f32 to vector<256x784xf32>
    %select_n3A_318 = arith.select %eq3A_315, %broadcast_in_dim3A_317, %select_n3A_302 : vector<256x784xi1>, vector<256x784xf32>
    %reduce_max3A_319 = arith.constant dense<0xFF800000> : vector<256xf32>
    %reduce_max3A_320 = vector.multi_reduction <maximumf>, %select_n3A_318, %reduce_max3A_319 [1] : vector<256x784xf32> to vector<256xf32>
    %broadcast_in_dim3A_321 = vector.shape_cast %reduce_max3A_320 : vector<256xf32> to vector<256x1xf32>
    %eq3A_322 = vector.broadcast %broadcast_in_dim3A_321 : vector<256x1xf32> to vector<256x784xf32>
    %eq3A_323 = arith.cmpf oeq, %select_n3A_318, %eq3A_322 : vector<256x784xf32>
    %jit3A_324 = arith.constant 1073741824 : i32
    %broadcast_in_dim3A_325 = vector.broadcast %jit3A_324 : i32 to vector<256x784xi32>
    %select_n3A_326 = arith.select %eq3A_323, %iota3A, %broadcast_in_dim3A_325 : vector<256x784xi1>, vector<256x784xi32>
    %reduce_min3A_327 = arith.constant dense<2147483647> : vector<256xi32>
    %reduce_min3A_328 = vector.multi_reduction <minsi>, %select_n3A_326, %reduce_min3A_327 [1] : vector<256x784xi32> to vector<256xi32>
    %broadcast_in_dim3A_329 = vector.shape_cast %reduce_min3A_328 : vector<256xi32> to vector<256x1xi32>
    %eq3A_330 = vector.broadcast %broadcast_in_dim3A_329 : vector<256x1xi32> to vector<256x784xi32>
    %eq3A_331 = arith.cmpi eq, %iota3A, %eq3A_330 : vector<256x784xi32>
    %jit3A_332 = arith.constant -3.000000e+38 : f32
    %broadcast_in_dim3A_333 = vector.broadcast %jit3A_332 : f32 to vector<256x784xf32>
    %select_n3A_334 = arith.select %eq3A_331, %broadcast_in_dim3A_333, %select_n3A_318 : vector<256x784xi1>, vector<256x784xf32>
    %reduce_max3A_335 = arith.constant dense<0xFF800000> : vector<256xf32>
    %reduce_max3A_336 = vector.multi_reduction <maximumf>, %select_n3A_334, %reduce_max3A_335 [1] : vector<256x784xf32> to vector<256xf32>
    %broadcast_in_dim3A_337 = vector.shape_cast %reduce_max3A_336 : vector<256xf32> to vector<256x1xf32>
    %eq3A_338 = vector.broadcast %broadcast_in_dim3A_337 : vector<256x1xf32> to vector<256x784xf32>
    %eq3A_339 = arith.cmpf oeq, %select_n3A_334, %eq3A_338 : vector<256x784xf32>
    %jit3A_340 = arith.constant 1073741824 : i32
    %broadcast_in_dim3A_341 = vector.broadcast %jit3A_340 : i32 to vector<256x784xi32>
    %select_n3A_342 = arith.select %eq3A_339, %iota3A, %broadcast_in_dim3A_341 : vector<256x784xi1>, vector<256x784xi32>
    %reduce_min3A_343 = arith.constant dense<2147483647> : vector<256xi32>
    %reduce_min3A_344 = vector.multi_reduction <minsi>, %select_n3A_342, %reduce_min3A_343 [1] : vector<256x784xi32> to vector<256xi32>
    %broadcast_in_dim3A_345 = vector.shape_cast %reduce_min3A_344 : vector<256xi32> to vector<256x1xi32>
    %eq3A_346 = vector.broadcast %broadcast_in_dim3A_345 : vector<256x1xi32> to vector<256x784xi32>
    %eq3A_347 = arith.cmpi eq, %iota3A, %eq3A_346 : vector<256x784xi32>
    %jit3A_348 = arith.constant -3.000000e+38 : f32
    %broadcast_in_dim3A_349 = vector.broadcast %jit3A_348 : f32 to vector<256x784xf32>
    %select_n3A_350 = arith.select %eq3A_347, %broadcast_in_dim3A_349, %select_n3A_334 : vector<256x784xi1>, vector<256x784xf32>
    %reduce_max3A_351 = arith.constant dense<0xFF800000> : vector<256xf32>
    %reduce_max3A_352 = vector.multi_reduction <maximumf>, %select_n3A_350, %reduce_max3A_351 [1] : vector<256x784xf32> to vector<256xf32>
    %broadcast_in_dim3A_353 = vector.shape_cast %reduce_max3A_352 : vector<256xf32> to vector<256x1xf32>
    %eq3A_354 = vector.broadcast %broadcast_in_dim3A_353 : vector<256x1xf32> to vector<256x784xf32>
    %eq3A_355 = arith.cmpf oeq, %select_n3A_350, %eq3A_354 : vector<256x784xf32>
    %jit3A_356 = arith.constant 1073741824 : i32
    %broadcast_in_dim3A_357 = vector.broadcast %jit3A_356 : i32 to vector<256x784xi32>
    %select_n3A_358 = arith.select %eq3A_355, %iota3A, %broadcast_in_dim3A_357 : vector<256x784xi1>, vector<256x784xi32>
    %reduce_min3A_359 = arith.constant dense<2147483647> : vector<256xi32>
    %reduce_min3A_360 = vector.multi_reduction <minsi>, %select_n3A_358, %reduce_min3A_359 [1] : vector<256x784xi32> to vector<256xi32>
    %broadcast_in_dim3A_361 = vector.shape_cast %reduce_min3A_360 : vector<256xi32> to vector<256x1xi32>
    %eq3A_362 = vector.broadcast %broadcast_in_dim3A_361 : vector<256x1xi32> to vector<256x784xi32>
    %eq3A_363 = arith.cmpi eq, %iota3A, %eq3A_362 : vector<256x784xi32>
    %jit3A_364 = arith.constant -3.000000e+38 : f32
    %broadcast_in_dim3A_365 = vector.broadcast %jit3A_364 : f32 to vector<256x784xf32>
    %select_n3A_366 = arith.select %eq3A_363, %broadcast_in_dim3A_365, %select_n3A_350 : vector<256x784xi1>, vector<256x784xf32>
    %reduce_max3A_367 = arith.constant dense<0xFF800000> : vector<256xf32>
    %reduce_max3A_368 = vector.multi_reduction <maximumf>, %select_n3A_366, %reduce_max3A_367 [1] : vector<256x784xf32> to vector<256xf32>
    %broadcast_in_dim3A_369 = vector.shape_cast %reduce_max3A_368 : vector<256xf32> to vector<256x1xf32>
    %eq3A_370 = vector.broadcast %broadcast_in_dim3A_369 : vector<256x1xf32> to vector<256x784xf32>
    %eq3A_371 = arith.cmpf oeq, %select_n3A_366, %eq3A_370 : vector<256x784xf32>
    %jit3A_372 = arith.constant 1073741824 : i32
    %broadcast_in_dim3A_373 = vector.broadcast %jit3A_372 : i32 to vector<256x784xi32>
    %select_n3A_374 = arith.select %eq3A_371, %iota3A, %broadcast_in_dim3A_373 : vector<256x784xi1>, vector<256x784xi32>
    %reduce_min3A_375 = arith.constant dense<2147483647> : vector<256xi32>
    %reduce_min3A_376 = vector.multi_reduction <minsi>, %select_n3A_374, %reduce_min3A_375 [1] : vector<256x784xi32> to vector<256xi32>
    %broadcast_in_dim3A_377 = vector.shape_cast %reduce_min3A_376 : vector<256xi32> to vector<256x1xi32>
    %eq3A_378 = vector.broadcast %broadcast_in_dim3A_377 : vector<256x1xi32> to vector<256x784xi32>
    %eq3A_379 = arith.cmpi eq, %iota3A, %eq3A_378 : vector<256x784xi32>
    %jit3A_380 = arith.constant -3.000000e+38 : f32
    %broadcast_in_dim3A_381 = vector.broadcast %jit3A_380 : f32 to vector<256x784xf32>
    %select_n3A_382 = arith.select %eq3A_379, %broadcast_in_dim3A_381, %select_n3A_366 : vector<256x784xi1>, vector<256x784xf32>
    %reduce_max3A_383 = arith.constant dense<0xFF800000> : vector<256xf32>
    %reduce_max3A_384 = vector.multi_reduction <maximumf>, %select_n3A_382, %reduce_max3A_383 [1] : vector<256x784xf32> to vector<256xf32>
    %broadcast_in_dim3A_385 = vector.shape_cast %reduce_max3A_384 : vector<256xf32> to vector<256x1xf32>
    %eq3A_386 = vector.broadcast %broadcast_in_dim3A_385 : vector<256x1xf32> to vector<256x784xf32>
    %eq3A_387 = arith.cmpf oeq, %select_n3A_382, %eq3A_386 : vector<256x784xf32>
    %jit3A_388 = arith.constant 1073741824 : i32
    %broadcast_in_dim3A_389 = vector.broadcast %jit3A_388 : i32 to vector<256x784xi32>
    %select_n3A_390 = arith.select %eq3A_387, %iota3A, %broadcast_in_dim3A_389 : vector<256x784xi1>, vector<256x784xi32>
    %reduce_min3A_391 = arith.constant dense<2147483647> : vector<256xi32>
    %reduce_min3A_392 = vector.multi_reduction <minsi>, %select_n3A_390, %reduce_min3A_391 [1] : vector<256x784xi32> to vector<256xi32>
    %broadcast_in_dim3A_393 = vector.shape_cast %reduce_min3A_392 : vector<256xi32> to vector<256x1xi32>
    %eq3A_394 = vector.broadcast %broadcast_in_dim3A_393 : vector<256x1xi32> to vector<256x784xi32>
    %eq3A_395 = arith.cmpi eq, %iota3A, %eq3A_394 : vector<256x784xi32>
    %jit3A_396 = arith.constant -3.000000e+38 : f32
    %broadcast_in_dim3A_397 = vector.broadcast %jit3A_396 : f32 to vector<256x784xf32>
    %select_n3A_398 = arith.select %eq3A_395, %broadcast_in_dim3A_397, %select_n3A_382 : vector<256x784xi1>, vector<256x784xf32>
    %reduce_max3A_399 = arith.constant dense<0xFF800000> : vector<256xf32>
    %reduce_max3A_400 = vector.multi_reduction <maximumf>, %select_n3A_398, %reduce_max3A_399 [1] : vector<256x784xf32> to vector<256xf32>
    %broadcast_in_dim3A_401 = vector.shape_cast %reduce_max3A_400 : vector<256xf32> to vector<256x1xf32>
    %eq3A_402 = vector.broadcast %broadcast_in_dim3A_401 : vector<256x1xf32> to vector<256x784xf32>
    %eq3A_403 = arith.cmpf oeq, %select_n3A_398, %eq3A_402 : vector<256x784xf32>
    %jit3A_404 = arith.constant 1073741824 : i32
    %broadcast_in_dim3A_405 = vector.broadcast %jit3A_404 : i32 to vector<256x784xi32>
    %select_n3A_406 = arith.select %eq3A_403, %iota3A, %broadcast_in_dim3A_405 : vector<256x784xi1>, vector<256x784xi32>
    %reduce_min3A_407 = arith.constant dense<2147483647> : vector<256xi32>
    %reduce_min3A_408 = vector.multi_reduction <minsi>, %select_n3A_406, %reduce_min3A_407 [1] : vector<256x784xi32> to vector<256xi32>
    %broadcast_in_dim3A_409 = vector.shape_cast %reduce_min3A_408 : vector<256xi32> to vector<256x1xi32>
    %eq3A_410 = vector.broadcast %broadcast_in_dim3A_409 : vector<256x1xi32> to vector<256x784xi32>
    %eq3A_411 = arith.cmpi eq, %iota3A, %eq3A_410 : vector<256x784xi32>
    %jit3A_412 = arith.constant -3.000000e+38 : f32
    %broadcast_in_dim3A_413 = vector.broadcast %jit3A_412 : f32 to vector<256x784xf32>
    %select_n3A_414 = arith.select %eq3A_411, %broadcast_in_dim3A_413, %select_n3A_398 : vector<256x784xi1>, vector<256x784xf32>
    %reduce_max3A_415 = arith.constant dense<0xFF800000> : vector<256xf32>
    %reduce_max3A_416 = vector.multi_reduction <maximumf>, %select_n3A_414, %reduce_max3A_415 [1] : vector<256x784xf32> to vector<256xf32>
    %broadcast_in_dim3A_417 = vector.shape_cast %reduce_max3A_416 : vector<256xf32> to vector<256x1xf32>
    %eq3A_418 = vector.broadcast %broadcast_in_dim3A_417 : vector<256x1xf32> to vector<256x784xf32>
    %eq3A_419 = arith.cmpf oeq, %select_n3A_414, %eq3A_418 : vector<256x784xf32>
    %jit3A_420 = arith.constant 1073741824 : i32
    %broadcast_in_dim3A_421 = vector.broadcast %jit3A_420 : i32 to vector<256x784xi32>
    %select_n3A_422 = arith.select %eq3A_419, %iota3A, %broadcast_in_dim3A_421 : vector<256x784xi1>, vector<256x784xi32>
    %reduce_min3A_423 = arith.constant dense<2147483647> : vector<256xi32>
    %reduce_min3A_424 = vector.multi_reduction <minsi>, %select_n3A_422, %reduce_min3A_423 [1] : vector<256x784xi32> to vector<256xi32>
    %broadcast_in_dim3A_425 = vector.shape_cast %reduce_min3A_424 : vector<256xi32> to vector<256x1xi32>
    %eq3A_426 = vector.broadcast %broadcast_in_dim3A_425 : vector<256x1xi32> to vector<256x784xi32>
    %eq3A_427 = arith.cmpi eq, %iota3A, %eq3A_426 : vector<256x784xi32>
    %jit3A_428 = arith.constant -3.000000e+38 : f32
    %broadcast_in_dim3A_429 = vector.broadcast %jit3A_428 : f32 to vector<256x784xf32>
    %select_n3A_430 = arith.select %eq3A_427, %broadcast_in_dim3A_429, %select_n3A_414 : vector<256x784xi1>, vector<256x784xf32>
    %reduce_max3A_431 = arith.constant dense<0xFF800000> : vector<256xf32>
    %reduce_max3A_432 = vector.multi_reduction <maximumf>, %select_n3A_430, %reduce_max3A_431 [1] : vector<256x784xf32> to vector<256xf32>
    %broadcast_in_dim3A_433 = vector.shape_cast %reduce_max3A_432 : vector<256xf32> to vector<256x1xf32>
    %eq3A_434 = vector.broadcast %broadcast_in_dim3A_433 : vector<256x1xf32> to vector<256x784xf32>
    %eq3A_435 = arith.cmpf oeq, %select_n3A_430, %eq3A_434 : vector<256x784xf32>
    %jit3A_436 = arith.constant 1073741824 : i32
    %broadcast_in_dim3A_437 = vector.broadcast %jit3A_436 : i32 to vector<256x784xi32>
    %select_n3A_438 = arith.select %eq3A_435, %iota3A, %broadcast_in_dim3A_437 : vector<256x784xi1>, vector<256x784xi32>
    %reduce_min3A_439 = arith.constant dense<2147483647> : vector<256xi32>
    %reduce_min3A_440 = vector.multi_reduction <minsi>, %select_n3A_438, %reduce_min3A_439 [1] : vector<256x784xi32> to vector<256xi32>
    %broadcast_in_dim3A_441 = vector.shape_cast %reduce_min3A_440 : vector<256xi32> to vector<256x1xi32>
    %eq3A_442 = vector.broadcast %broadcast_in_dim3A_441 : vector<256x1xi32> to vector<256x784xi32>
    %eq3A_443 = arith.cmpi eq, %iota3A, %eq3A_442 : vector<256x784xi32>
    %jit3A_444 = arith.constant -3.000000e+38 : f32
    %broadcast_in_dim3A_445 = vector.broadcast %jit3A_444 : f32 to vector<256x784xf32>
    %select_n3A_446 = arith.select %eq3A_443, %broadcast_in_dim3A_445, %select_n3A_430 : vector<256x784xi1>, vector<256x784xf32>
    %reduce_max3A_447 = arith.constant dense<0xFF800000> : vector<256xf32>
    %reduce_max3A_448 = vector.multi_reduction <maximumf>, %select_n3A_446, %reduce_max3A_447 [1] : vector<256x784xf32> to vector<256xf32>
    %broadcast_in_dim3A_449 = vector.shape_cast %reduce_max3A_448 : vector<256xf32> to vector<256x1xf32>
    %eq3A_450 = vector.broadcast %broadcast_in_dim3A_449 : vector<256x1xf32> to vector<256x784xf32>
    %eq3A_451 = arith.cmpf oeq, %select_n3A_446, %eq3A_450 : vector<256x784xf32>
    %jit3A_452 = arith.constant 1073741824 : i32
    %broadcast_in_dim3A_453 = vector.broadcast %jit3A_452 : i32 to vector<256x784xi32>
    %select_n3A_454 = arith.select %eq3A_451, %iota3A, %broadcast_in_dim3A_453 : vector<256x784xi1>, vector<256x784xi32>
    %reduce_min3A_455 = arith.constant dense<2147483647> : vector<256xi32>
    %reduce_min3A_456 = vector.multi_reduction <minsi>, %select_n3A_454, %reduce_min3A_455 [1] : vector<256x784xi32> to vector<256xi32>
    %broadcast_in_dim3A_457 = vector.shape_cast %reduce_min3A_456 : vector<256xi32> to vector<256x1xi32>
    %eq3A_458 = vector.broadcast %broadcast_in_dim3A_457 : vector<256x1xi32> to vector<256x784xi32>
    %eq3A_459 = arith.cmpi eq, %iota3A, %eq3A_458 : vector<256x784xi32>
    %jit3A_460 = arith.constant -3.000000e+38 : f32
    %broadcast_in_dim3A_461 = vector.broadcast %jit3A_460 : f32 to vector<256x784xf32>
    %select_n3A_462 = arith.select %eq3A_459, %broadcast_in_dim3A_461, %select_n3A_446 : vector<256x784xi1>, vector<256x784xf32>
    %reduce_max3A_463 = arith.constant dense<0xFF800000> : vector<256xf32>
    %reduce_max3A_464 = vector.multi_reduction <maximumf>, %select_n3A_462, %reduce_max3A_463 [1] : vector<256x784xf32> to vector<256xf32>
    %broadcast_in_dim3A_465 = vector.shape_cast %reduce_max3A_464 : vector<256xf32> to vector<256x1xf32>
    %eq3A_466 = vector.broadcast %broadcast_in_dim3A_465 : vector<256x1xf32> to vector<256x784xf32>
    %eq3A_467 = arith.cmpf oeq, %select_n3A_462, %eq3A_466 : vector<256x784xf32>
    %jit3A_468 = arith.constant 1073741824 : i32
    %broadcast_in_dim3A_469 = vector.broadcast %jit3A_468 : i32 to vector<256x784xi32>
    %select_n3A_470 = arith.select %eq3A_467, %iota3A, %broadcast_in_dim3A_469 : vector<256x784xi1>, vector<256x784xi32>
    %reduce_min3A_471 = arith.constant dense<2147483647> : vector<256xi32>
    %reduce_min3A_472 = vector.multi_reduction <minsi>, %select_n3A_470, %reduce_min3A_471 [1] : vector<256x784xi32> to vector<256xi32>
    %broadcast_in_dim3A_473 = vector.shape_cast %reduce_min3A_472 : vector<256xi32> to vector<256x1xi32>
    %eq3A_474 = vector.broadcast %broadcast_in_dim3A_473 : vector<256x1xi32> to vector<256x784xi32>
    %eq3A_475 = arith.cmpi eq, %iota3A, %eq3A_474 : vector<256x784xi32>
    %jit3A_476 = arith.constant -3.000000e+38 : f32
    %broadcast_in_dim3A_477 = vector.broadcast %jit3A_476 : f32 to vector<256x784xf32>
    %select_n3A_478 = arith.select %eq3A_475, %broadcast_in_dim3A_477, %select_n3A_462 : vector<256x784xi1>, vector<256x784xf32>
    %reduce_max3A_479 = arith.constant dense<0xFF800000> : vector<256xf32>
    %reduce_max3A_480 = vector.multi_reduction <maximumf>, %select_n3A_478, %reduce_max3A_479 [1] : vector<256x784xf32> to vector<256xf32>
    %broadcast_in_dim3A_481 = vector.shape_cast %reduce_max3A_480 : vector<256xf32> to vector<256x1xf32>
    %eq3A_482 = vector.broadcast %broadcast_in_dim3A_481 : vector<256x1xf32> to vector<256x784xf32>
    %eq3A_483 = arith.cmpf oeq, %select_n3A_478, %eq3A_482 : vector<256x784xf32>
    %jit3A_484 = arith.constant 1073741824 : i32
    %broadcast_in_dim3A_485 = vector.broadcast %jit3A_484 : i32 to vector<256x784xi32>
    %select_n3A_486 = arith.select %eq3A_483, %iota3A, %broadcast_in_dim3A_485 : vector<256x784xi1>, vector<256x784xi32>
    %reduce_min3A_487 = arith.constant dense<2147483647> : vector<256xi32>
    %reduce_min3A_488 = vector.multi_reduction <minsi>, %select_n3A_486, %reduce_min3A_487 [1] : vector<256x784xi32> to vector<256xi32>
    %broadcast_in_dim3A_489 = vector.shape_cast %reduce_min3A_488 : vector<256xi32> to vector<256x1xi32>
    %eq3A_490 = vector.broadcast %broadcast_in_dim3A_489 : vector<256x1xi32> to vector<256x784xi32>
    %eq3A_491 = arith.cmpi eq, %iota3A, %eq3A_490 : vector<256x784xi32>
    %jit3A_492 = arith.constant -3.000000e+38 : f32
    %broadcast_in_dim3A_493 = vector.broadcast %jit3A_492 : f32 to vector<256x784xf32>
    %select_n3A_494 = arith.select %eq3A_491, %broadcast_in_dim3A_493, %select_n3A_478 : vector<256x784xi1>, vector<256x784xf32>
    %reduce_max3A_495 = arith.constant dense<0xFF800000> : vector<256xf32>
    %reduce_max3A_496 = vector.multi_reduction <maximumf>, %select_n3A_494, %reduce_max3A_495 [1] : vector<256x784xf32> to vector<256xf32>
    %broadcast_in_dim3A_497 = vector.shape_cast %reduce_max3A_496 : vector<256xf32> to vector<256x1xf32>
    %eq3A_498 = vector.broadcast %broadcast_in_dim3A_497 : vector<256x1xf32> to vector<256x784xf32>
    %eq3A_499 = arith.cmpf oeq, %select_n3A_494, %eq3A_498 : vector<256x784xf32>
    %jit3A_500 = arith.constant 1073741824 : i32
    %broadcast_in_dim3A_501 = vector.broadcast %jit3A_500 : i32 to vector<256x784xi32>
    %select_n3A_502 = arith.select %eq3A_499, %iota3A, %broadcast_in_dim3A_501 : vector<256x784xi1>, vector<256x784xi32>
    %reduce_min3A_503 = arith.constant dense<2147483647> : vector<256xi32>
    %reduce_min3A_504 = vector.multi_reduction <minsi>, %select_n3A_502, %reduce_min3A_503 [1] : vector<256x784xi32> to vector<256xi32>
    %broadcast_in_dim3A_505 = vector.shape_cast %reduce_min3A_504 : vector<256xi32> to vector<256x1xi32>
    %concatenate3A = tpu.concatenate %broadcast_in_dim3A_9, %broadcast_in_dim3A_25, %broadcast_in_dim3A_41, %broadcast_in_dim3A_57, %broadcast_in_dim3A_73, %broadcast_in_dim3A_89, %broadcast_in_dim3A_105, %broadcast_in_dim3A_121, %broadcast_in_dim3A_137, %broadcast_in_dim3A_153, %broadcast_in_dim3A_169, %broadcast_in_dim3A_185, %broadcast_in_dim3A_201, %broadcast_in_dim3A_217, %broadcast_in_dim3A_233, %broadcast_in_dim3A_249, %broadcast_in_dim3A_265, %broadcast_in_dim3A_281, %broadcast_in_dim3A_297, %broadcast_in_dim3A_313, %broadcast_in_dim3A_329, %broadcast_in_dim3A_345, %broadcast_in_dim3A_361, %broadcast_in_dim3A_377, %broadcast_in_dim3A_393, %broadcast_in_dim3A_409, %broadcast_in_dim3A_425, %broadcast_in_dim3A_441, %broadcast_in_dim3A_457, %broadcast_in_dim3A_473, %broadcast_in_dim3A_489, %broadcast_in_dim3A_505 in 1 : vector<256x1xi32>, vector<256x1xi32>, vector<256x1xi32>, vector<256x1xi32>, vector<256x1xi32>, vector<256x1xi32>, vector<256x1xi32>, vector<256x1xi32>, vector<256x1xi32>, vector<256x1xi32>, vector<256x1xi32>, vector<256x1xi32>, vector<256x1xi32>, vector<256x1xi32>, vector<256x1xi32>, vector<256x1xi32>, vector<256x1xi32>, vector<256x1xi32>, vector<256x1xi32>, vector<256x1xi32>, vector<256x1xi32>, vector<256x1xi32>, vector<256x1xi32>, vector<256x1xi32>, vector<256x1xi32>, vector<256x1xi32>, vector<256x1xi32>, vector<256x1xi32>, vector<256x1xi32>, vector<256x1xi32>, vector<256x1xi32>, vector<256x1xi32> -> vector<256x32xi32>
    %mul3A_506 = arith.constant 784 : i32
    %mul3A_507 = vector.broadcast %mul3A_506 : i32 to vector<256x1xi32>
    %mul3A_508 = arith.muli %add3A_4, %mul3A_507 : vector<256x1xi32>
    %add3A_509 = vector.broadcast %mul3A_508 : vector<256x1xi32> to vector<256x32xi32>
    %add3A_510 = arith.addi %concatenate3A, %add3A_509 : vector<256x32xi32>
    %swap3A = arith.constant 0 : index
    %swap3A_511 = arith.constant 0 : index
    %swap3A_512 = vector.load %arg2[%swap3A, %swap3A_511] : memref<256x32xi32, #tpu.memory_space<vmem>>, vector<256x32xi32>
    tpu.vector_store %arg2[%swap3A, %swap3A_511], %add3A_510 {strides = array<i32>} : memref<256x32xi32, #tpu.memory_space<vmem>>, vector<256x32xi32>,
    return
  }
  func.func @transform_0(%arg0: i32) -> (i32, i32) {
    %c0_i32 = arith.constant 0 : i32
    %c0_i32_0 = arith.constant 0 : i32
    return %arg0, %c0_i32 : i32, i32
  }
  func.func @transform_1(%arg0: i32) -> (i32, i32) {
    %c0_i32 = arith.constant 0 : i32
    %c0_i32_0 = arith.constant 0 : i32
    return %arg0, %c0_i32 : i32, i32
  }
}

</mosaic_0001>

<sc_bundles>
// kernel: kernel.5.cloned.1.call-start
scs
__scs_entry_jumppad:
0x0: {  	(pc) =	sbr.rel $0x88, $3  }
0x1: {  	(tag) =	ssettag $0x0;
	lr =	simm.s32 $0x1  }
0x2: {  	[smem:$0x3F9F] =	sst lr;
	_ =	strace $0xD0000000  }
0x3: {  	_ = 	snop  }
0x4: {  	_ = 	snop  }
0x5: {  	_ = 	snop  }
0x6: {  	_ = 	snop  }
0x7: {  	_ = 	snop  }
__scs_overlays_trampoline_lowered:
0x8: {  	[smem:$0x3FAE] =	sst s0  }
0x9: {  	[smem:$0x3FAF] =	sst s1  }
0xa: {  	[smem:$0x3FB0] =	sst s2  }
0xb: {  	[smem:$0x3FB1] =	sst s3  }
0xc: {  	[smem:$0x3FB2] =	sst s4  }
0xd: {  	[smem:$0x3FB3] =	sst s5  }
0xe: {  	[smem:$0x3FB4] =	sst s6  }
0xf: {  	[smem:$0x3FB5] =	sst s7  }
0x10: {  	[smem:$0x3FB6] =	sst s8  }
0x11: {  	[smem:$0x3FB7] =	sst s9;
	s0 =	simm.s32 @!p0 $0x0  }
0x12: {  	s1 =	sld [smem:$0x3F9D];
	s0 =	simm.s32 @p0 $0x1  }
0x13: {  	[smem:$0x3FB8] =	sst s0;
	s0 =	simm.s32 @!p1 $0x0  }
0x14: {  	s2 =	sld [smem:$0x3F9C];
	s0 =	simm.s32 @p1 $0x1  }
0x15: {  	[smem:$0x3FB9] =	sst s0;
	s0 =	simm.s32 @!p2 $0x0  }
0x16: {  	s3 =	sld [smem:$0x3FDB];
	s0 =	simm.s32 @p2 $0x1  }
0x17: {  	s4 =	simm.s32 $0x1BF5;
	[smem:$0x3FBB] =	sst s0  }
0x18: {  	s0 =	sld [smem:$0x3F9E];
	_ =	swait.ge [sflag:s4], $0x0  }
0x19: {  	s7 =	sld [smem:$0x3F9F]  }
0x1a: {  	s8 =	sadd.s32 $0xFFFFE003, lr  }
0x1b: {  	s9 =	sadd.s32 $0xFFFFFEF7, lr;
	s5 =	simm.s32 $0xFFFFFFFF;
	p2 =	slt.u32 s8, $0xFFFFF086  }
0x1c: {  	p1 =	slt.u32 s9, $0xF7A;
	s5 =	simm.s32 @!p2 $0x0  }
0x1d: {  	s5 =	simm.s32 @p1 $0x1;
	p0 =	seq.s32 s7, s2  }
0x1e: {  	s7 =	smul.u32 @!p0 $0xF7A, s2;
	p2 =	seq.s32 @!p0 s5, $0x0  }
0x1f: {  	s9 =	smul.u32 $0xF7A, s1;
	s8 =	simm.s32 @!p0 $0x1BF5;
	p2 =	por !p2, p0  }
0x20: {  	[sflag:s8] =	ssyncset.s32 @!p0 $0xFFFFF086;
	s6 =	sadd.s32 @!p0 s3, s7;
	s7 =	simm.s32 @!p0 $0x108  }
0x21: {  	s3 =	sadd.s32 s3, s9;
	s6 =	sadd.s32 @!p0 $0x88, s6;
	s7 =	simm.s32 @p2 $0x1082  }
0x22: {  	[simem:s7], [sflag:s8] =	dma.local @!p0 [hbm:s6], $0xF7A  }
0x23: {  	s9 =	sor.u32 $0xD0000000, s2;
	s6 =	simm.s32 $0x108;
	_ =	swait.ge @!p0 [sflag:s8], $0x0  }
0x24: {  	s3 =	sadd.s32 $0x88, s3;
	s6 =	simm.s32 @!p1 $0x1082;
	[sflag:s4] =	ssyncset.s32 $0xFFFFF086  }
0x25: {  	[simem:s6], [sflag:s4] =	dma.local [hbm:s3], $0xF7A  }
0x26: {  	[smem:$0x3F9F] =	sst s1;
	(tag) =	ssettag s2;
	_ =	strace s9  }
0x27: {  	s1 =	sld [smem:$0x3FAF]  }
0x28: {  	s2 =	sld [smem:$0x3FB0]  }
0x29: {  	s4 =	sld [smem:$0x3FB2]  }
0x2a: {  	p0 =	seq.s32 s5, $0x0;
	s5 =	sld [smem:$0x3FB3]  }
0x2b: {  	s6 =	sld [smem:$0x3FB4]  }
0x2c: {  	s7 =	sld [smem:$0x3FB5]  }
0x2d: {  	s3 =	simm.s32 $0x108;
	s8 =	sld [smem:$0x3FB6]  }
0x2e: {  	s3 =	simm.s32 @!p0 $0x1082;
	s9 =	sld [smem:$0x3FB7]  }
0x2f: {  	lr =	sadd.s32 s0, s3;
	s0 =	sld [smem:$0x3FAE]  }
0x30: {  	s3 =	sld [smem:$0x3FB1]  }
0x31: {  	[smem:$0x3FBA] =	sst s10  }
0x32: {  	s10 =	sld [smem:$0x3FB8];
	_ =	sdelay $0x3  }
0x33: {  	p0 =	seq.s32 s10, $0x1;
	s10 =	sld [smem:$0x3FBA];
	_ =	sdelay $0x3  }
0x34: {  	[smem:$0x3FBA] =	sst s10  }
0x35: {  	s10 =	sld [smem:$0x3FB9];
	_ =	sdelay $0x3  }
0x36: {  	p1 =	seq.s32 s10, $0x1;
	s10 =	sld [smem:$0x3FBA];
	_ =	sdelay $0x3  }
0x37: {  	[smem:$0x3FBA] =	sst s10  }
0x38: {  	s10 =	sld [smem:$0x3FBB]  }
0x39: {  	_ = 	snop;
	(pc) =	sbr.ind lr, $3  }
0x3a: {  	_ = 	snop  }
0x3b: {  	_ = 	snop  }
0x3c: {  	p2 =	seq.s32 s10, $0x1;
	s10 =	sld [smem:$0x3FBA]  }
0x3d: {  	_ =	shalt  }
0x3e: {  	_ =	shalt  }
0x3f: {  	_ =	shalt  }
0x40: {  	_ =	shalt  }
0x41: {  	_ =	shalt  }
0x42: {  	_ =	shalt  }
0x43: {  	_ =	shalt  }
0x44: {  	_ =	shalt  }
0x45: {  	_ =	shalt  }
0x46: {  	_ =	shalt  }
0x47: {  	_ =	shalt  }
0x48: {  	_ =	shalt  }
0x49: {  	_ =	shalt  }
0x4a: {  	_ =	shalt  }
0x4b: {  	_ =	shalt  }
0x4c: {  	_ =	shalt  }
0x4d: {  	_ =	shalt  }
0x4e: {  	_ =	shalt  }
0x4f: {  	_ =	shalt  }
0x50: {  	_ =	shalt  }
0x51: {  	_ =	shalt  }
0x52: {  	_ =	shalt  }
0x53: {  	_ =	shalt  }
0x54: {  	_ =	shalt  }
0x55: {  	_ =	shalt  }
0x56: {  	_ =	shalt  }
0x57: {  	_ =	shalt  }
0x58: {  	_ =	shalt  }
0x59: {  	_ =	shalt  }
0x5a: {  	_ =	shalt  }
0x5b: {  	_ =	shalt  }
0x5c: {  	_ =	shalt  }
0x5d: {  	_ =	shalt  }
0x5e: {  	_ =	shalt  }
0x5f: {  	_ =	shalt  }
0x60: {  	_ =	shalt  }
0x61: {  	_ =	shalt  }
0x62: {  	_ =	shalt  }
0x63: {  	_ =	shalt  }
0x64: {  	_ =	shalt  }
0x65: {  	_ =	shalt  }
0x66: {  	_ =	shalt  }
0x67: {  	_ =	shalt  }
0x68: {  	_ =	shalt  }
0x69: {  	_ =	shalt  }
0x6a: {  	_ =	shalt  }
0x6b: {  	_ =	shalt  }
0x6c: {  	_ =	shalt  }
0x6d: {  	_ =	shalt  }
0x6e: {  	_ =	shalt  }
0x6f: {  	_ =	shalt  }
0x70: {  	_ =	shalt  }
0x71: {  	_ =	shalt  }
0x72: {  	_ =	shalt  }
0x73: {  	_ =	shalt  }
0x74: {  	_ =	shalt  }
0x75: {  	_ =	shalt  }
0x76: {  	_ =	shalt  }
0x77: {  	_ =	shalt  }
0x78: {  	_ =	shalt  }
0x79: {  	_ =	shalt  }
0x7a: {  	_ =	shalt  }
0x7b: {  	_ =	shalt  }
0x7c: {  	_ =	shalt  }
0x7d: {  	_ =	shalt  }
0x7e: {  	_ =	shalt  }
0x7f: {  	_ =	shalt  }
0x80: {  	_ =	shalt  }
0x81: {  	_ =	shalt  }
0x82: {  	_ =	shalt  }
0x83: {  	_ =	shalt  }
0x84: {  	_ =	shalt  }
0x85: {  	_ =	shalt  }
0x86: {  	_ =	shalt  }
0x87: {  	_ =	shalt  }
.Lfunc_end0:
.L_simem_size_0:
called_computation_lowered:
.L_overlay_start_0:
0x88: {  	s2 =	sld [smem:$0x3FD9]  }
0x89: {  	s3 =	sld [smem:$0x3FFE];
	_ =	sdelay $0x1  }
0x8a: {  	s1 =	srdreg.scid  }
0x8b: {  	s0 =	sand.u32 $0x1, s1  }
0x8c: {  	s16 =	sshll.u32 s0, $0xA;
	s2 =	sadd.s32 s3, s2  }
0x8d: {  	s2 =	sadd.s32 s2, s16  }
0x8e: {  	[smem:$0x3FC6] =	sst s2  }
0x8f: {  	_ = 	snop  }
0x90: {  	(tm) =	ssettm $0x1  }
0x91: {  	s17 =	sld [smem:$0x3FFB];
	_ =	sdelay $0x3  }
0x92: {  	_ =	strace s17  }
0x93: {  	s2 =	sld [smem:$0x3FFC];
	_ =	sdelay $0x3  }
0x94: {  	_ =	strace s2  }
0x95: {  	s2 =	sld [smem:$0x3FFD];
	_ =	sdelay $0x3  }
0x96: {  	_ =	strace s2  }
0x97: {  	_ =	strace $0x8FFFFFFF  }
0x98: {  	s18 =	sld [smem:$0x3FDB];
	_ =	sdelay $0x1  }
0x99: {  	s19 =	simm.s32 $_scs_section_size  }
0x9a: {  	s4 =	simm.s32 $_size__tile_overlayer_lowered;
	s5 =	simm.s32 $_tile_overlayer_lowered  }
0x9b: {  	s22 =	simm.s32 $0x1BFF;
	s21 =	sshll.u32 s5, $0x1;
	s2 =	sadd.s32 s19, s18  }
0x9c: {  	s6 =	simm.s32 $0x0;
	s20 =	sshll.u32 s4, $0x1;
	s4 =	sadd.s32 s21, s2  }
0x9d: {  	[timem:s6], [sflag:s22] =	dma.local [hbm:s4], s20  }
0x9e: {  	_ =	swait.ge [sflag:s22], s20  }
0x9f: {  	s3 =	ssub.s32 $0x0, s20;
	[sflag:s22] =	ssyncset.done $0x0  }
0xa0: {  	[sflag:s22] =	ssyncadd.s32 s3;
	_ =	sdelay $0x1  }
0xa1: {  	s23 =	simm.s32 $0x1B8B  }
0xa2: {  	_ =	swait.ge [sflag:s23], $0x1  }
0xa3: {  	[sflag:s23] =	ssyncset.done $0x0  }
0xa4: {  	s25 =	simm.s32 $0x1B8E;
	s24 =	sld [smem:$0x3FFE];
	[sflag:s23] =	ssyncadd.s32 $0xFFFFFFFF  }
0xa5: {  	s26 =	simm.s32 $execute0_lowered;
	[smem:$0x3FD2] =	sst s25  }
0xa6: {  	s4 =	sshll.u32 s26, $0x1;
	_ =	strace $0x80000046;
	[dreg:$0x1] =	wrdreg $0xFFFFFFFF  }
0xa7: {  	s28 =	simm.s32 $_size_execute0_lowered;
	s2 =	sadd.s32 s2, s4;
	[dreg:$0x0] =	wrdreg $0x0  }
0xa8: {  	s4 =	sshll.u32 s28, $0x1;
	[dreg:$0x2] =	wrdreg s2  }
0xa9: {  	[dreg:$0x3] =	wrdreg s4  }
0xaa: {  	[dreg:$0x4] =	wrdreg $0xC0  }
0xab: {  	_ =	task [dreg:s6], $0x5FFFF  }
0xac: {  	[dreg:$0x1] =	wrdreg $0xFFFFFFFF  }
0xad: {  	[dreg:$0x0] =	wrdreg $0x60  }
0xae: {  	[dreg:$0x2] =	wrdreg s24  }
0xaf: {  	[dreg:$0x3] =	wrdreg $0x9  }
0xb0: {  	_ =	task.clear_ibuf [dreg:s6], $0x4FFFF;
	_ =	strace $0x90000046  }
0xb1: {  	s29 =	simm.s32 $0x9;
	_ =	strace $0x80000048  }
0xb2: {  	_ =	swait.ge [sflag:s29], $0x1  }
0xb3: {  	[sflag:s29] =	ssyncadd.s32 $0xFFFFFFFF  }
0xb4: {  	_ =	strace $0x90000048  }
0xb5: {  	_ =	sfence  }
0xb6: {  	s30 =	sld [smem:$0x0];
	_ =	sdelay $0x2  }
0xb7: {  	s31 =	sshll.u32 s1, $0xD;
	s1 =	sshrl.u32 s1, $0x2  }
0xb8: {  	s3 =	sand.u32 $0x4000, s31;
	s1 =	sadd.s32 s1, s30  }
0xb9: {  	s0 =	sor.u32 s3, s0;
	s1 =	sshll.u32 s1, $0x11  }
0xba: {  	s0 =	sor.u32 s1, s0  }
0xbb: {  	s0 =	sadd.s32 $0x8F2B, s0  }
0xbc: {  	[sflag:s0] =	ssyncadd.remote.s32 $0x1  }
0xbd: {  	_ =	sfence.sel $0xFFFF  }
0xbe: {  	[dreg:$0x0] =	wrdreg $0xFFFFFFFF;
	(pc) =	sbr.abs _section_cstart, $3  }
0xbf: {  	[dreg:$0x1] =	wrdreg $0xFFFFFFFF  }
0xc0: {  	_ =	task.clear_ibuf [dreg:s6], $0x2FFFF;
	_ =	strace $0x9FFFFFFF  }
0xc1: {  	(tm) =	ssettm $0x7FFFFFFF  }
tec
execute0_lowered:
.L_overlay_start_1:
0x0: {  	(tag) =	ssettag $0x1  }
0x1: {  	s0 =	srdreg.scid;
	s2 =	stileid.u32  }
0x2: {  	s1 =	rddreg [dreg:$0x0];
	s0 =	sand.u32 $0x1, s0;
	s3 =	sshll.u32 s2, $0x6  }
0x3: {  	s2 =	simm.s32 $0x0;
	s4 =	sshll.u32 s0, $0x5;
	s0 =	ssub.s32 $0x2, s0  }
0x4: {  	[smem:$0x7FF] =	sst s2;
	s3 =	sor.u32 s4, s3;
	s5 =	sshrl.u32 s0, $0x1  }
0x5: {  	[dreg:$0x2] =	wrdreg s3;
	s3 =	sshll.u32 s3, $0x4;
	s0 =	ssub.s32 s0, s5  }
0x6: {  	_ =	strace $0x80000047;
	s3 =	sadd.s32 s3, s1;
	s1 =	sadd.s32 $0xE8D000, s1  }
.Ltmp0:
0x7: {  	s0 =	smax.u32 s0, $0x1;
	[dreg:$0x3] =	wrdreg s1;
	(pc) =	sbr.rel .LBB2_1-.Ltmp0, $4  }
0x8: {  	s29 =	sadd.s32 $0x1000, s3;
	[dreg:$0x7] =	wrdreg s0  }
0x9: {  	s12 =	simm.s32 $0x1100;
	s30 =	sadd.s32 $0x5000, s3;
	[dreg:$0x4] =	wrdreg s29  }
0xa: {  	v0 =	vlaneseq.u32;
	s14 =	simm.s32 $0x3100;
	s31 =	sadd.s32 $0x9000, s3;
	[dreg:$0x5] =	wrdreg s30  }
0xb: {  	v2 =	vimm.s32 $0x0;
	v3 =	vimm.f32 $-3.000000010e+38;
	v1 =	vmul.u32 $0x10, v0;
	s1 =	simm.s32 $0x2;
	s3 =	simm.s32 $0x0;
	[dreg:$0x6] =	wrdreg s31  }
.LBB2_21:
0xc: {  	s0 =	rddreg [dreg:$0x5];
	s1 =	simm.s32 $0x3200  }
0xd: {  	[hbm4b:s0+s2] =	stream.linear.scatter [tilespmem:s1], [sflag:$0x2], $0x1000, $0x38;
	[tilespmem:$0x5200] =	vst v63  }
0xe: {  	s1 =	simm.s32 $0x2  }
0xf: {  	_ =	swait.ge [sflag:s1], $0x1000  }
0x10: {  	[sflag:s1] =	ssyncset.done $0x0  }
0x11: {  	s3 =	simm.s32 $0x4200;
	s29 =	rddreg [dreg:$0x6];
	[sflag:s1] =	ssyncadd.s32 $0xFFFFF000  }
0x12: {  	[hbm4b:s29+s2] =	stream.linear.scatter [tilespmem:s3], [sflag:$0x2], $0x1000, $0x38;
	[tilespmem:$0x5200] =	vst v63  }
0x13: {  	_ =	swait.ge [sflag:s1], $0x1000  }
0x14: {  	s30 =	rddreg [dreg:$0x8]  }
0x15: {  	s31 =	rddreg [dreg:$0x7];
	s3 =	sadd.s32 $0x1, s30  }
0x16: {  	p0 =	sne.s32 s3, s31  }
.Ltmp1:
0x17: {  	_ = 	snop;
	(pc) =	sbr.rel @!p0 .LBB2_22-.Ltmp1, $3  }
0x18: {  	_ =	sdelay $0x1  }
0x19: {  	[sflag:s1] =	ssyncset.done $0x0  }
0x1a: {  	[sflag:s1] =	ssyncadd.s32 $0xFFFFF000  }
.LBB2_1:
0x1b: {  	[dreg:$0x8] =	wrdreg s3  }
0x1c: {  	s0 =	rddreg [dreg:$0x4]  }
0x1d: {  	[tilespmem:s2], [sflag:$0x2] =	stream.linear.gather [hbm4b:s0+s2], $0x1000, $0x38;
	[tilespmem:$0x5200] =	vst v63  }
0x1e: {  	_ =	swait.ge [sflag:s1], $0x1000  }
0x1f: {  	[sflag:s1] =	ssyncset.done $0x0  }
0x20: {  	[sflag:s1] =	ssyncadd.s32 $0xFFFFF000  }
0x21: {  	v4 =	vld [tilespmem:$0x0]  }
0x22: {  	v5 =	vld [tilespmem:$0x10];
	_ =	sdelay $0x1  }
.Ltmp2:
0x23: {  	_ = 	snop;
	(pc) =	sbr.rel .LBB2_2-.Ltmp2, $4  }
0x24: {  	_ = 	snop  }
0x25: {  	s30 =	simm.s32 $0x20;
	s31 =	simm.s32 $0x1000;
	[tilespmem:$0x1000] =	vst v4  }
0x26: {  	p2 =	por $0x0, $0x0;
	s18 =	simm.s32 $0x0;
	s29 =	rddreg [dreg:$0x3];
	[tilespmem:$0x1010] =	vst v5  }
0x27: {  	[tilespmem:s12], [sflag:$0x1] =	stream.indirect.gather [hbm4b:s29+s30], $0x80, s31, s30, $0xb8;
	[tilespmem:$0x5200] =	vst v63  }
.LBB2_20:
0x28: {  	s18 =	sadd.s32 $0x1, s18  }
0x29: {  	p0 =	sne.s32 s18, $0x20  }
.Ltmp3:
0x2a: {  	s0 =	sld [smem:$0x7FD];
	(pc) =	sbr.rel @!p0 .LBB2_21-.Ltmp3, $3  }
0x2b: {  	_ =	sdelay $0x1  }
0x2c: {  	p2 =	seq.s32 s0, $0x1  }
0x2d: {  	p2 =	por !p2, !p2  }
.LBB2_2:
0x2e: {  	s1 =	simm.s32 $0x1  }
0x2f: {  	p1 =	seq.s32 s18, $0x1F;
	_ =	swait.ge [sflag:s1], $0x1000  }
0x30: {  	s0 =	sshll.u32 @!p1 s18, $0x7;
	[sflag:s1] =	ssyncset.done $0x0  }
0x31: {  	s0 =	sand.u32 @!p1 $0x3FFFFF80, s0;
	[sflag:s1] =	ssyncadd.s32 $0xFFFFF000  }
0x32: {  	v4 =	vld @!p1 [tilespmem:s0+$0x80];
	_ =	sdelay $0x1  }
0x33: {  	s1 =	sand.u32 $0x1, s18  }
0x34: {  	s3 =	sxor.u32 @!p1 $0x1, s1  }
0x35: {  	s5 =	sshll.u32 @!p1 s3, $0x7  }
0x36: {  	[tilespmem:s5+$0x1000] =	vst @!p1 v4  }
0x37: {  	s4 =	simm.s32 @!p2 $0x0;
	v4 =	vld @!p1 [tilespmem:s0+$0x90]  }
0x38: {  	s4 =	simm.s32 @p2 $0x1  }
0x39: {  	[smem:$0x7FD] =	sst s4  }
0x3a: {  	s4 =	rddreg [dreg:$0x3];
	s1 =	sshll.u32 s1, $0xC;
	s0 =	simm.s32 $0x1  }
0x3b: {  	s3 =	sshll.u32 @!p1 s3, $0xC;
	s6 =	sor.u32 @!p1 $0x1000, s5;
	s0 =	simm.s32 @!p2 $0x0  }
0x3c: {  	s3 =	sadd.s32 @!p1 $0x1100, s3;
	s0 =	sshll.u32 s0, $0xC;
	[tilespmem:s5+$0x1010] =	vst @!p1 v4;
	s5 =	simm.s32 @!p1 $0x20  }
0x3d: {  	[tilespmem:s3], [sflag:$0x1] =	stream.indirect.gather @!p1 [hbm4b:s4+s5], $0x80, s6, s5, $0xb8;
	[tilespmem:$0x5200] =	vst v63  }
0x3e: {  	s31 =	rddreg [dreg:$0x2];
	s19 =	sadd.s32 $0x1100, s1;
	s6 =	sadd.s32 $0x1180, s0  }
0x3f: {  	s0 =	sor.u32 s31, s18;
	s5 =	simm.s32 $0x0;
	s3 =	simm.s32 $0x40;
	v4 =	vld [tilespmem:s6+$0xFFFFFF80]  }
.LBB2_3:
0x40: {  	p1 =	sne.s32 s3, $0x3C0;
	v5 =	vld [tilespmem:s6+$0xFFFFFF90]  }
0x41: {  	v6 =	vld [tilespmem:s6+$0xFFFFFFA0]  }
0x42: {  	v7 =	vld [tilespmem:s6+$0xFFFFFFB0]  }
0x43: {  	v8 =	vld [tilespmem:s6+$0xFFFFFFC0]  }
0x44: {  	v4 =	vmax.f32 v4, $-3.000000010e+38;
	v9 =	vld [tilespmem:s6+$0xFFFFFFD0]  }
0x45: {  	v4 =	vmax.f32 v4, v5;
	v5 =	vld [tilespmem:s6+$0xFFFFFFE0]  }
0x46: {  	v4 =	vmax.f32 v4, v6;
	v6 =	vld [tilespmem:s6+$0xFFFFFFF0]  }
0x47: {  	v4 =	vmax.f32 v4, v7;
	v7 =	vld [tilespmem:s6+$0x0]  }
0x48: {  	v4 =	vmax.f32 v4, v8;
	v8 =	vld [tilespmem:s6+$0x10]  }
0x49: {  	v4 =	vmax.f32 v4, v9;
	v9 =	vld [tilespmem:s6+$0x20]  }
0x4a: {  	v4 =	vmax.f32 v4, v5;
	v5 =	vld [tilespmem:s6+$0x30]  }
0x4b: {  	v4 =	vmax.f32 v4, v6;
	v6 =	vld [tilespmem:s6+$0x40]  }
0x4c: {  	v4 =	vmax.f32 v4, v7;
	v7 =	vld [tilespmem:s6+$0x50]  }
0x4d: {  	v4 =	vmax.f32 v4, v8;
	v8 =	vld [tilespmem:s6+$0x60]  }
0x4e: {  	v4 =	vmax.f32 v4, v9;
	v9 =	vld [tilespmem:s6+$0x70]  }
0x4f: {  	v4 =	vmax.f32 v4, v5  }
0x50: {  	v4 =	vmax.f32 v4, v6  }
.Ltmp4:
0x51: {  	v4 =	vmax.f32 v4, v7;
	(pc) =	sbr.rel @p1 .LBB2_3-.Ltmp4, $4  }
0x52: {  	v4 =	vmax.f32 v4, v8  }
0x53: {  	s7 =	sshra.s32 s5, $0x2;
	s5 =	smov.u32 s3;
	v4 =	vmax.f32 v4, v9  }
0x54: {  	s6 =	sadd.s32 $0x100, s6;
	[tilespmem:s7+$0x3100] =	vst v4  }
0x55: {  	s3 =	sadd.s32 $0x40, s3;
	v4 =	vld [tilespmem:s6+$0xFFFFFF80]  }
0x56: {  	v5 =	vld [tilespmem:s6+$0xFFFFFF90]  }
0x57: {  	v6 =	vld [tilespmem:s6+$0xFFFFFFA0]  }
0x58: {  	v7 =	vld [tilespmem:s6+$0xFFFFFFB0]  }
0x59: {  	v8 =	vld [tilespmem:s6+$0xFFFFFFC0]  }
0x5a: {  	v9 =	vld [tilespmem:s6+$0xFFFFFFD0];
	v4 =	vmax.f32 v4, $-3.000000010e+38  }
0x5b: {  	v4 =	vmax.f32 v4, v5;
	v5 =	vld [tilespmem:s6+$0xFFFFFFE0]  }
0x5c: {  	v4 =	vmax.f32 v4, v6;
	v6 =	vld [tilespmem:s6+$0xFFFFFFF0]  }
0x5d: {  	v4 =	vmax.f32 v4, v7;
	v7 =	vld [tilespmem:s6+$0x0]  }
0x5e: {  	v4 =	vmax.f32 v4, v8;
	v8 =	vld [tilespmem:s6+$0x10]  }
0x5f: {  	v59 =	vld [tilespmem:s6+$0x20];
	v4 =	vmax.f32 v4, v9  }
0x60: {  	v4 =	vmax.f32 v4, v5;
	v5 =	vld [tilespmem:s6+$0x30]  }
0x61: {  	v4 =	vmax.f32 v4, v6;
	v6 =	vld [tilespmem:s6+$0x40]  }
0x62: {  	v4 =	vmax.f32 v4, v7;
	v7 =	vld [tilespmem:s6+$0x50]  }
0x63: {  	v4 =	vmax.f32 v4, v8;
	v8 =	vld [tilespmem:s6+$0x60]  }
0x64: {  	v60 =	vld [tilespmem:s6+$0x70];
	v4 =	vmax.f32 v4, v59  }
0x65: {  	v4 =	vmax.f32 v4, v5  }
0x66: {  	v4 =	vmax.f32 v4, v6  }
0x67: {  	v4 =	vmax.f32 v4, v7  }
0x68: {  	v4 =	vmax.f32 v4, v8  }
0x69: {  	s3 =	sshra.s32 s5, $0x2;
	v4 =	vmax.f32 v4, v60  }
0x6a: {  	[tilespmem:s3+$0x3100] =	vst v4  }
0x6b: {  	v4 =	vld [tilespmem:$0x3100]  }
0x6c: {  	v5 =	vld [tilespmem:$0x3110]  }
0x6d: {  	v6 =	vld [tilespmem:$0x3120]  }
0x6e: {  	v7 =	vld [tilespmem:$0x3130]  }
0x6f: {  	v8 =	vld [tilespmem:$0x3140]  }
0x70: {  	v61 =	vld [tilespmem:$0x3150]  }
0x71: {  	v4 =	vmax.f32 v4, v5;
	v5 =	vld [tilespmem:$0x3160]  }
0x72: {  	v4 =	vmax.f32 v4, v6;
	v6 =	vld [tilespmem:$0x3170]  }
0x73: {  	v4 =	vmax.f32 v4, v7;
	v7 =	vld [tilespmem:$0x3180]  }
0x74: {  	v4 =	vmax.f32 v4, v8;
	v8 =	vld [tilespmem:$0x3190]  }
0x75: {  	v62 =	vld [tilespmem:$0x31A0];
	v4 =	vmax.f32 v4, v61  }
0x76: {  	v4 =	vmax.f32 v4, v5;
	v5 =	vld [tilespmem:$0x31B0]  }
0x77: {  	v4 =	vmax.f32 v4, v6;
	v6 =	vld [tilespmem:$0x31C0]  }
0x78: {  	v4 =	vmax.f32 v4, v7;
	v7 =	vld [tilespmem:$0x31D0]  }
0x79: {  	v4 =	vmax.f32 v4, v8;
	v8 =	vld [tilespmem:$0x31E0]  }
0x7a: {  	v63 =	vld [tilespmem:$0x31F0];
	v4 =	vmax.f32 v4, v62  }
.Ltmp5:
0x7b: {  	v4 =	vmax.f32 v4, v5;
	(pc) =	sbr.rel .LBB2_5-.Ltmp5, $4  }
0x7c: {  	v4 =	vmax.f32 v4, v6  }
0x7d: {  	v5 =	vmov s18;
	v4 =	vmax.f32 v4, v7  }
0x7e: {  	v6 =	vmax.f32 v4, v8;
	v4 =	vshll.u32 v5, $0x7  }
0x7f: {  	s20 =	smul.u32 $0x1FFFCF0, s0;
	s21 =	sshll.u32 s18, $0x7;
	s22 =	simm.s32 $0x0;
	v5 =	vmax.f32 v6, v63;
	v6 =	vmov s1;
	v7 =	vbroadcast v4, $0x0  }
.LBB2_23:
0x80: {  	v10 =	vmctz.xlane vm0;
	_ =	sdelay $0x1  }
0x81: {  	(v2sf) =	vpush v10, $0x0;
	_ =	sdelay $0x1  }
0x82: {  	(v2sf) =	vpush v9, $0x0;
	_ =	sdelay $0xc  }
0x83: {  	s1 =	spop (v2sf)  }
0x84: {  	s0 =	sadd.s32 s0, s1  }
0x85: {  	s31 =	spop (v2sf);
	s0 =	sshll.u32 s0, $0x4  }
0x86: {  	s17 =	sadd.s32 s31, s0  }
.LBB2_19:
0x87: {  	s0 =	sshra.s32 s17, $0x1F  }
0x88: {  	s1 =	sshrl.u32 s0, $0x19  }
0x89: {  	s1 =	sadd.s32 s1, s17  }
0x8a: {  	s3 =	sand.u32 $0xFFFFFF80, s1  }
0x8b: {  	p0 =	slt.s32 s17, $0x1;
	p1 =	sne.s32 s17, s3  }
0x8c: {  	p1 =	por !p0, !p1  }
0x8d: {  	s0 =	sshrl.u32 s0, $0x1C;
	s3 =	simm.s32 $0x1;
	p1 =	por !p1, !p1  }
0x8e: {  	s0 =	sadd.s32 s0, s17;
	s1 =	sshra.s32 s1, $0x7;
	s3 =	simm.s32 @!p1 $0x0  }
0x8f: {  	s28 =	sand.u32 $0xFFFFFFF0, s0;
	s1 =	ssub.s32 s1, s3  }
0x90: {  	p4 =	sne.s32 s17, s28;
	v9 =	vmov s1  }
0x91: {  	p0 =	por !p0, !p4;
	v10 =	vand.u32 $0xFFFFFF80, v9  }
0x92: {  	p0 =	por !p0, !p0;
	s1 =	simm.s32 $0x1;
	v9 =	vand.u32 $0x7F, v9;
	v10 =	vadd.s32 v7, v10  }
0x93: {  	s0 =	sshra.s32 s0, $0x4;
	s1 =	simm.s32 @!p0 $0x0;
	v9 =	vor.u32 v9, v10  }
0x94: {  	s0 =	ssub.s32 s0, s1  }
0x95: {  	s1 =	sshrl.u32 s0, $0x1C  }
0x96: {  	s1 =	sadd.s32 s1, s0  }
0x97: {  	s29 =	sand.u32 $0xFFFFFFF0, s1  }
0x98: {  	p5 =	slt.s32 s0, $0x1;
	p6 =	sne.s32 s0, s29;
	v9 =	vld.idx.msk [tilespmem:v9+s2+$0x0], $0xffff  }
0x99: {  	p0 =	por !p5, !p6  }
0x9a: {  	s3 =	simm.s32 $0x1;
	p0 =	por !p0, !p0  }
0x9b: {  	s1 =	sshrl.u32 s1, $0x4;
	s3 =	simm.s32 @!p0 $0x0  }
0x9c: {  	s1 =	ssub.s32 s1, s3  }
0x9d: {  	s1 =	sshll.u32 s1, $0x4;
	(v2sf) =	vpush v9, $0x0  }
0x9e: {  	v54 =	vmov s1  }
0x9f: {  	v9 =	vbroadcast v54, $0x0;
	_ =	sdelay $0x1  }
0xa0: {  	v9 =	vshll.u32 v9, $0x4  }
0xa1: {  	s30 =	sand.u32 $0xF, s17;
	v55 =	vor.u32 v1, v9;
	v9 =	vshra.s32 v9, $0x1F  }
0xa2: {  	v10 =	vor.u32 s30, v55;
	v11 =	vshrl.u32 v9, $0x19  }
0xa3: {  	v11 =	vadd.s32 v11, v10;
	vm0 =	vgt.s32 v10, $0x0  }
0xa4: {  	v11 =	vshra.s32 v11, $0x7;
	v12 =	vsel vm0, $0x1, v2  }
0xa5: {  	v9 =	vadd.s32 v12, v9;
	v56 =	vshll.u32 v11, $0x7  }
0xa6: {  	vm12 =	vne.s32 v9, $0x1;
	vm1 =	vne.s32 v10, v56  }
0xa7: {  	s4 =	sand.u32 $0x10, s22;
	vm0 =	vmand vm1, vm12  }
0xa8: {  	s4 =	sor.u32 s21, s4;
	v57 =	vsel vm0, $0xFFFFFFFF, v2  }
0xa9: {  	v58 =	vld [tilespmem:s4+$0x3200];
	v9 =	vadd.s32 v57, v11  }
0xaa: {  	v59 =	vld [tilespmem:s4+$0x4200];
	v9 =	vshll.u32 v9, $0x7  }
0xab: {  	s6 =	sand.u32 $0xF, s22;
	v10 =	vand.u32 $0x7F, v10;
	v9 =	vadd.s32 v6, v9;
	s5 =	spop (v2sf)  }
0xac: {  	v13 =	vmov s6;
	v9 =	vor.u32 v10, v9;
	s5 =	sadd.s32 s20, s5  }
0xad: {  	s31 =	sand.u32 $0x7F, s17;
	vm13 =	veq.s32 v13, v0;
	s5 =	sshll.u32 s5, $0x7  }
0xae: {  	v8 =	vsel vm13, v8, v58;
	s5 =	sor.u32 s31, s5  }
0xaf: {  	[tilespmem:s4+$0x3200] =	vst v8;
	v8 =	vsel vm13, s5, v59  }
0xb0: {  	[tilespmem:s4+$0x4200] =	vst v8  }
0xb1: {  	v8 =	vld.idx.msk [tilespmem:v9+s12+$0x0], $0xffff;
	_ =	sdelay $0x1  }
0xb2: {  	s0 =	sand.u32 $0xF, s0  }
0xb3: {  	v60 =	vmov s0  }
0xb4: {  	vm14 =	veq.s32 v60, v0  }
0xb5: {  	v8 =	vsel vm14, $0xFF61B1E6, v8  }
0xb6: {  	(xrf1) =	vsort.ascd.msk.f32 $0xffff, v8, v8;
	_ =	sdelay $0xa  }
0xb7: {  	[tilespmem:v9+s12+$0x0] =	vst.idx.msk vm14, v3  }
0xb8: {  	v8 =	vld [tilespmem:s1+$0x3100];
	_ =	sdelay $0x1  }
0xb9: {  	v62 =	vor.u32 s30, v1;
	v61, _, _ =	vpop (xrf1)  }
0xba: {  	v63 =	vmov s30;
	v9 =	vbroadcast v61, $0xF  }
0xbb: {  	vm15 =	veq.s32 v63, v0  }
0xbc: {  	v8 =	vsel vm15, v9, v8  }
0xbd: {  	[tilespmem:s1+$0x3100] =	vst v8  }
0xbe: {  	v8 =	vld.idx.msk [tilespmem:v62+s14+$0x0], $0xffff;
	_ =	sdelay $0x4  }
0xbf: {  	(xrf1) =	vsort.ascd.msk.f32 $0xffff, v8, v8;
	_ =	sdelay $0xa  }
0xc0: {  	s22 =	sadd.s32 $0x1, s22  }
0xc1: {  	p0 =	sne.s32 s22, $0x20  }
.Ltmp6:
0xc2: {  	_ = 	snop;
	(pc) =	sbr.rel @!p0 .LBB2_20-.Ltmp6, $3  }
0xc3: {  	v8, _, _ =	vpop (xrf1)  }
0xc4: {  	v8 =	vbroadcast v8, $0xF;
	_ =	sdelay $0x1  }
0xc5: {  	v5 =	vsel vm15, v8, v5  }
.LBB2_5:
0xc6: {  	(xrf1) =	vsort.ascd.msk.f32 $0xffff, v5, v5;
	_ =	sdelay $0xd  }
0xc7: {  	v8, _, _ =	vpop (xrf1)  }
0xc8: {  	v8 =	vbroadcast v8, $0xF;
	_ =	sdelay $0x1  }
0xc9: {  	vm0 =	veq.f32 v5, v8  }
0xca: {  	v9 =	vmctz.xlane vm0;
	_ =	sdelay $0x1  }
0xcb: {  	v10 =	vbroadcast v9, $0x0;
	_ =	sdelay $0x1  }
0xcc: {  	v10 =	vadd.s32 v1, v10;
	_ =	sdelay $0x4  }
0xcd: {  	v11 =	vld.idx.msk [tilespmem:v10+s14+$0x0], $0xffff;
	_ =	sdelay $0x4  }
0xce: {  	vm1 =	veq.f32 v11, v8  }
0xcf: {  	v11 =	vmctz.xlane vm1;
	_ =	sdelay $0x1  }
0xd0: {  	(v2sf) =	vpush v11, $0x0;
	_ =	sdelay $0xe  }
0xd1: {  	s0 =	spop (v2sf)  }
0xd2: {  	s0 =	sshll.u32 s0, $0x4  }
0xd3: {  	v11 =	vmov s0  }
0xd4: {  	v11 =	vshll.u32 v11, $0x4  }
0xd5: {  	v10 =	vadd.s32 v11, v10  }
0xd6: {  	v11 =	vshra.s32 v10, $0x1F  }
0xd7: {  	v11 =	vshrl.u32 v11, $0x19  }
0xd8: {  	v11 =	vadd.s32 v11, v10  }
0xd9: {  	v11 =	vshra.s32 v11, $0x7  }
0xda: {  	v12 =	vshll.u32 v11, $0x7  }
0xdb: {  	vm2 =	vlt.s32 v10, $0x1;
	vm3 =	vne.s32 v10, v12  }
0xdc: {  	vm2 =	vmand vm2, vm3  }
0xdd: {  	v62 =	vsel vm2, $0xFFFFFFFF, v2  }
0xde: {  	v11 =	vadd.s32 v62, v11  }
0xdf: {  	v11 =	vshll.u32 v11, $0x7  }
0xe0: {  	v10 =	vand.u32 $0x7F, v10;
	v11 =	vadd.s32 v6, v11  }
0xe1: {  	v10 =	vor.u32 v10, v11;
	_ =	sdelay $0x4  }
0xe2: {  	v10 =	vld.idx.msk [tilespmem:v10+s12+$0x0], $0xffff;
	_ =	sdelay $0x2  }
0xe3: {  	v11 =	vmpcnt.ones.xlane vm0  }
0xe4: {  	v63 =	vmpcnt.ones.xlane vm1  }
0xe5: {  	(v2sf) =	vpush v11, $0x0;
	vm0 =	veq.f32 v10, v8  }
0xe6: {  	(v2sf) =	vpush v63, $0x0;
	v10 =	vmpcnt.ones.xlane vm0;
	_ =	sdelay $0x1  }
0xe7: {  	(v2sf) =	vpush v10, $0x0;
	_ =	sdelay $0xb  }
0xe8: {  	s1 =	spop (v2sf)  }
0xe9: {  	s3 =	spop (v2sf);
	p2 =	sne.s32 s1, $0x1  }
0xea: {  	p1 =	sne.s32 @!p2 s3, $0x1  }
0xeb: {  	p1 =	por p2, p1;
	s1 =	spop (v2sf)  }
0xec: {  	p3 =	sne.s32 @!p1 s1, $0x1  }
0xed: {  	p3 =	por p1, p3  }
.Ltmp7:
0xee: {  	_ = 	snop;
	(pc) =	sbr.rel @!p3 .LBB2_23-.Ltmp7, $1  }
0xef: {  	_ =	sdelay $0x3  }
0xf0: {  	s3 =	simm.s32 $0x0  }
0xf1: {  	s3 =	simm.s32 @p2 $0x0  }
0xf2: {  	s0 =	smov.u32 s3;
	s17 =	smov.u32 s3;
	s3 =	simm.s32 @!p1 $0x0  }
0xf3: {  	p5 =	sne.s32 s3, $0xFF  }
.Ltmp8:
0xf4: {  	_ = 	snop;
	(pc) =	sbr.rel @!p5 .LBB2_7-.Ltmp8, $4  }
0xf5: {  	s9 =	simm.s32 $0x40000000;
	p3 =	por $0x0, $0x0  }
0xf6: {  	p4 =	por $0x0, $0x0;
	s9 =	simm.s32 @p2 $0x40000000;
	p2 =	por $0x0, $0x0  }
0xf7: {  	s9 =	simm.s32 @!p1 $0x40000000;
	s0 =	simm.s32 @!p1 $0x0;
	s17 =	simm.s32 @!p1 $0x0  }
0xf8: {  	s1 =	sshrl.u32 s3, $0x3;
	s3 =	sadd.s32 $0x1, s3;
	p1 =	por $0x0, $0x0  }
0xf9: {  	p5 =	sne.s32 s3, $0xFF  }
.Ltmp9:
0xfa: {  	_ = 	snop;
	(pc) =	sbr.rel @!p5 .LBB2_9-.Ltmp9, $4  }
0xfb: {  	v9 =	vmov s1;
	s26 =	sshll.u32 s1, $0x7  }
0xfc: {  	s11 =	sand.u32 $0x70, s0;
	v9 =	vand.u32 $0x7F, v9;
	s1 =	sadd.s32 s26, s19  }
0xfd: {  	v9 =	vor.u32 v4, v9;
	s5 =	sadd.s32 s11, s1  }
0xfe: {  	p1 =	por $0x1, $0x1;
	s1 =	sshrl.u32 s3, $0x3;
	s3 =	sadd.s32 $0x1, s3;
	v10 =	vbroadcast v9, $0x0;
	v11 =	vld [tilespmem:s5+$0x0]  }
0xff: {  	_ =	sdelay $0x4  }
0x100: {  	v9 =	vld.idx.msk [tilespmem:v10+s2+$0x0], $0xffff  }
0x101: {  	p5 =	sne.s32 s3, $0xFF  }
.Ltmp10:
0x102: {  	_ = 	snop;
	(pc) =	sbr.rel @!p5 .LBB2_11-.Ltmp10, $4  }
0x103: {  	s8 =	sor.u32 s11, s26;
	s25 =	sadd.s32 $0x10, s0;
	s26 =	sshll.u32 s1, $0x7;
	v10 =	vmov s1;
	vm0 =	veq.f32 v11, v8  }
0x104: {  	s7 =	sand.u32 $0x70, s25;
	s1 =	sadd.s32 s26, s19;
	v10 =	vand.u32 $0x7F, v10;
	v11 =	vmctz.xlane vm0  }
0x105: {  	s5 =	sadd.s32 s7, s1;
	v10 =	vor.u32 v4, v10;
	(v2sf) =	vpush v9, $0x0  }
0x106: {  	p2 =	por $0x1, $0x1;
	s1 =	sshrl.u32 s3, $0x3;
	s3 =	sadd.s32 $0x1, s3;
	v10 =	vbroadcast v10, $0x0;
	v12 =	vmpcnt.ones.xlane vm0;
	(v2sf) =	vpush v11, $0x0;
	v11 =	vld [tilespmem:s5+$0x0]  }
0x107: {  	_ =	sdelay $0x4  }
0x108: {  	v9 =	vld.idx.msk [tilespmem:v10+s2+$0x0], $0xffff;
	_ =	sdelay $0x2  }
0x109: {  	vm0 =	veq.f32 v11, v8  }
0x10a: {  	(v2sf) =	vpush v12, $0x0;
	v11 =	vmctz.xlane vm0  }
0x10b: {  	(v2sf) =	vpush v9, $0x0  }
0x10c: {  	(v2sf) =	vpush v11, $0x0;
	_ =	sdelay $0x2  }
0x10d: {  	p5 =	sne.s32 s3, $0xFF  }
.Ltmp11:
0x10e: {  	_ = 	snop;
	(pc) =	sbr.rel @!p5 .LBB2_13-.Ltmp11, $4  }
0x10f: {  	s5 =	sor.u32 s7, s26;
	s25 =	sadd.s32 $0x10, s25;
	s26 =	sshll.u32 s1, $0x7;
	v10 =	vmov s1  }
0x110: {  	s10 =	sand.u32 $0x70, s25;
	s1 =	sadd.s32 s26, s19;
	v10 =	vand.u32 $0x7F, v10  }
0x111: {  	s6 =	sadd.s32 s10, s1;
	v10 =	vor.u32 v4, v10  }
0x112: {  	p3 =	por $0x1, $0x1;
	s1 =	sshrl.u32 s3, $0x3;
	s3 =	sadd.s32 $0x1, s3;
	v10 =	vbroadcast v10, $0x0;
	v9 =	vmpcnt.ones.xlane vm0;
	v11 =	vld [tilespmem:s6+$0x0]  }
0x113: {  	_ =	sdelay $0x4  }
0x114: {  	v10 =	vld.idx.msk [tilespmem:v10+s2+$0x0], $0xffff;
	_ =	sdelay $0x1  }
0x115: {  	p6 =	sne.s32 s3, $0xFF;
	s25 =	sadd.s32 $0x10, s25  }
0x116: {  	s28 =	sor.u32 s10, s26;
	s6 =	spop (v2sf);
	s26 =	sshll.u32 s1, $0x7;
	vm0 =	veq.f32 v11, v8  }
0x117: {  	v12 =	vmov s1;
	s1 =	sshrl.u32 s3, $0x3;
	s3 =	sadd.s32 $0x1, s3;
	s30 =	smov.u32 s7;
	(v2sf) =	vpush v9, $0x0;
	v13 =	vmctz.xlane vm0  }
0x118: {  	s31 =	smov.u32 s5;
	s29 =	sand.u32 $0x70, s25;
	s15 =	sadd.s32 s20, s6;
	v11 =	vand.u32 $0x7F, v12;
	(v2sf) =	vpush v10, $0x0  }
.Ltmp12:
0x119: {  	s6 =	spop (v2sf);
	s23 =	sadd.s32 s26, s19;
	v11 =	vor.u32 v4, v11;
	(v2sf) =	vpush v13, $0x0;
	(pc) =	sbr.rel @!p6 .LBB2_15-.Ltmp12, $4  }
0x11a: {  	s4 =	sshll.u32 s15, $0x7;
	s13 =	sadd.s32 s11, s6;
	s24 =	sadd.s32 s29, s23;
	v10 =	vbroadcast v11, $0x0  }
0x11b: {  	s23 =	smov.u32 s17;
	s16 =	sadd.s32 s4, s13;
	s15 =	spop (v2sf)  }
0x11c: {  	p5 =	slt.s32 s16, s9;
	p4 =	sgt.s32 s15, $0x0;
	s15 =	smov.u32 s8  }
0x11d: {  	v12 =	vmpcnt.ones.xlane vm0;
	v11 =	vld [tilespmem:s24+$0x0];
	p5 =	por !p4, !p5;
	p4 =	por $0x1, $0x1;
	s24 =	smov.u32 s9  }
.LBB2_16:
0x11e: {  	p6 =	sne.s32 s3, $0xFF  }
0x11f: {  	s26 =	sor.u32 s29, s26;
	p5 =	por !p5, !p5;
	s4 =	smov.u32 s30  }
0x120: {  	v13 =	vmov s1;
	v14 =	vld.idx.msk [tilespmem:v10+s2+$0x0], $0xffff;
	(v2sf) =	vpush v12, $0x0;
	s30 =	smov.u32 s10;
	s10 =	smov.u32 s29;
	s6 =	sadd.s32 s6, s15  }
0x121: {  	s15 =	smov.u32 s31;
	s31 =	smov.u32 s28;
	v10 =	vand.u32 $0x7F, v13;
	s24 =	smov.u32 @p5 s16  }
0x122: {  	s25 =	sadd.s32 $0x10, s25;
	s23 =	smov.u32 @p5 s6;
	s28 =	smov.u32 s26;
	v10 =	vor.u32 v4, v10  }
0x123: {  	s29 =	sand.u32 $0x70, s25;
	v10 =	vbroadcast v10, $0x0;
	s6 =	spop (v2sf)  }
.Ltmp13:
0x124: {  	vm0 =	veq.f32 v11, v8;
	s16 =	sadd.s32 s20, s6;
	s6 =	spop (v2sf);
	(pc) =	sbr.rel @p6 .LBB2_16-.Ltmp13, $4  }
0x125: {  	s26 =	sshll.u32 s1, $0x7;
	v11 =	vmctz.xlane vm0;
	s1 =	sshll.u32 s16, $0x7;
	s4 =	sadd.s32 s4, s6  }
0x126: {  	s13 =	sadd.s32 s26, s19;
	(v2sf) =	vpush v14, $0x0;
	s16 =	sadd.s32 s1, s4;
	s1 =	spop (v2sf)  }
0x127: {  	v12 =	vmpcnt.ones.xlane vm0;
	s4 =	sadd.s32 s29, s13;
	(v2sf) =	vpush v11, $0x0;
	p5 =	sgt.s32 s1, $0x0;
	p0 =	slt.s32 s16, s24  }
0x128: {  	s1 =	sshrl.u32 s3, $0x3;
	s3 =	sadd.s32 $0x1, s3;
	v11 =	vld [tilespmem:s4+$0x0];
	p5 =	por !p5, !p0  }
0x129: {  	_ = 	snop  }
.LBB2_18:
0x12a: {  	_ =	sdelay $0x1  }
0x12b: {  	p0 =	por @p4 !p5, !p5;
	s3 =	smov.u32 @p3 s30  }
0x12c: {  	s4 =	sadd.s32 @p4 s6, s15;
	v63 =	vmov s1;
	s6 =	sadd.s32 @p1 $0x10, s25;
	s13 =	spop @p3 (v2sf)  }
0x12d: {  	(v2sf) =	vpush @p2 v12, $0x0;
	v10 =	vld.idx.msk @p1 [tilespmem:v10+s2+$0x0], $0xffff;
	s15 =	smov.u32 s9;
	s11 =	smov.u32 @p2 s10;
	s10 =	sor.u32 @p1 s29, s26;
	v12 =	vand.u32 $0x7F, v63  }
0x12e: {  	p0 =	por !p0, !p4;
	s0 =	smov.u32 @p1 s6;
	s6 =	sadd.s32 @p3 s20, s13;
	v12 =	vor.u32 v4, v12  }
0x12f: {  	s13 =	spop @p3 (v2sf);
	s5 =	smov.u32 @p1 s10;
	s10 =	smov.u32 s17;
	v12 =	vbroadcast v12, $0x0  }
0x130: {  	s16 =	smov.u32 @p0 s24;
	s4 =	smov.u32 @p0 s23;
	s24 =	sshll.u32 s1, $0x7;
	vm0 =	veq.f32 @p1 v11, v8  }
0x131: {  	s0 =	sand.u32 $0x70, s0;
	s6 =	sshll.u32 @p3 s6, $0x7;
	s25 =	sadd.s32 s24, s19;
	v11 =	vmctz.xlane @p1 vm0  }
0x132: {  	s3 =	sadd.s32 @p3 s3, s13;
	s15 =	smov.u32 @p4 s16;
	s16 =	sadd.s32 s0, s25;
	(v2sf) =	vpush @p1 v10, $0x0;
	v10 =	vmpcnt.ones.xlane @p1 vm0  }
0x133: {  	s23 =	smov.u32 @p3 s31;
	s3 =	sadd.s32 @p3 s6, s3;
	s6 =	spop @p3 (v2sf);
	(v2sf) =	vpush @p1 v11, $0x0;
	v11 =	vld [tilespmem:s16+$0x0]  }
0x134: {  	s13 =	smov.u32 @p3 s13;
	p0 =	sgt.s32 @p3 s6, $0x0;
	p5 =	slt.s32 @p3 s3, s15;
	v9 =	vpsel p1, v10, v9  }
0x135: {  	s6 =	smov.u32 @p1 s29;
	s3 =	smov.u32 @p3 s3;
	p5 =	por @p3 !p0, !p5;
	(v2sf) =	vpush @p1 v9, $0x0;
	v10 =	vld.idx.msk [tilespmem:v12+s2+$0x0], $0xffff  }
0x136: {  	s7 =	smov.u32 @p1 s6;
	s6 =	smov.u32 @p3 s23;
	s23 =	smov.u32 s17  }
0x137: {  	p5 =	por @!p3 p0, p0;
	s16 =	smov.u32 @p2 s28;
	s23 =	smov.u32 @p4 s4  }
0x138: {  	s4 =	smov.u32 @p2 s11;
	s6 =	sadd.s32 @p3 s13, s6;
	p0 =	por @p3 !p5, !p5;
	vm15 =	veq.f32 v11, v8  }
0x139: {  	s13 =	smov.u32 s9;
	s8 =	smov.u32 @p2 s16;
	p4 =	por !p0, !p3;
	v9 =	vmctz.xlane vm15  }
0x13a: {  	s3 =	smov.u32 @p4 s15;
	s15 =	smov.u32 s9;
	s11 =	spop @p2 (v2sf);
	(v2sf) =	vpush v10, $0x0  }
0x13b: {  	s6 =	smov.u32 @p4 s23;
	s11 =	sadd.s32 @p2 s20, s11;
	s16 =	spop @p2 (v2sf);
	v10 =	vmpcnt.ones.xlane vm15;
	(v2sf) =	vpush v9, $0x0  }
0x13c: {  	s15 =	smov.u32 @p3 s3;
	s11 =	sshll.u32 @p2 s11, $0x7;
	s4 =	sadd.s32 @p2 s4, s16  }
0x13d: {  	s3 =	smov.u32 @p1 s7;
	s4 =	sadd.s32 @p2 s11, s4;
	s11 =	spop @p2 (v2sf);
	(v2sf) =	vpush v10, $0x0  }
0x13e: {  	s7 =	smov.u32 @p2 s8;
	p5 =	slt.s32 @p2 s4, s15;
	p0 =	sgt.s32 @p2 s11, $0x0  }
0x13f: {  	s10 =	smov.u32 @p3 s6;
	s3 =	smov.u32 @p1 s3;
	p0 =	por @p2 !p0, !p5  }
0x140: {  	s7 =	smov.u32 @p2 s7;
	s8 =	smov.u32 @p2 s16;
	p0 =	por @!p2 p0, p0  }
0x141: {  	s4 =	smov.u32 @p2 s4;
	p0 =	por @p2 !p0, !p0;
	s6 =	spop @p1 (v2sf)  }
0x142: {  	p0 =	por !p0, !p2;
	s6 =	sadd.s32 @p1 s20, s6;
	s11 =	spop @p1 (v2sf)  }
0x143: {  	s4 =	smov.u32 @p0 s15;
	s6 =	sshll.u32 @p1 s6, $0x7;
	s3 =	sadd.s32 @p1 s3, s11  }
0x144: {  	s13 =	smov.u32 @p2 s4;
	s3 =	sadd.s32 @p1 s6, s3;
	s6 =	spop @p1 (v2sf)  }
0x145: {  	s4 =	sadd.s32 @p2 s8, s7;
	p3 =	sgt.s32 @p1 s6, $0x0;
	p4 =	slt.s32 @p1 s3, s13  }
0x146: {  	s5 =	smov.u32 @p1 s5;
	s4 =	smov.u32 @p0 s10;
	p0 =	por @p1 !p3, !p4  }
0x147: {  	s5 =	smov.u32 @p1 s5;
	s7 =	smov.u32 s17;
	p0 =	por @!p1 p0, p0  }
0x148: {  	s6 =	smov.u32 @p1 s11;
	s3 =	smov.u32 @p1 s3;
	p0 =	por @p1 !p0, !p0  }
0x149: {  	s7 =	smov.u32 @p2 s4;
	p0 =	por !p0, !p1;
	s28 =	spop (v2sf)  }
0x14a: {  	s3 =	smov.u32 @p0 s13;
	s4 =	sadd.s32 s20, s28;
	s29 =	spop (v2sf)  }
0x14b: {  	s9 =	smov.u32 @p1 s3;
	s4 =	sshll.u32 s4, $0x7;
	s30 =	sadd.s32 s0, s29  }
.Ltmp14:
0x14c: {  	s31 =	spop (v2sf);
	s4 =	sadd.s32 s4, s30;
	(pc) =	sbr.rel .LBB2_19-.Ltmp14, $4  }
0x14d: {  	s3 =	sadd.s32 @p1 s6, s5;
	p4 =	sgt.s32 s31, $0x0;
	p5 =	slt.s32 s4, s9  }
0x14e: {  	s0 =	sor.u32 s0, s24;
	s3 =	smov.u32 @p0 s7;
	p6 =	por !p4, !p5  }
0x14f: {  	s17 =	smov.u32 @p1 s3;
	s0 =	sadd.s32 s29, s0;
	p0 =	por !p6, !p6  }
0x150: {  	s17 =	smov.u32 @p0 s0  }
.LBB2_7:
.Ltmp15:
0x151: {  	(pc) =	sbr.rel .LBB2_18-.Ltmp15, $2  }
0x152: {  	_ =	sdelay $0x2  }
0x153: {  	s24 =	smov.u32 s9;
	s23 =	smov.u32 s17;
	s25 =	smov.u32 s0  }
.LBB2_9:
.Ltmp16:
0x154: {  	(pc) =	sbr.rel .LBB2_18-.Ltmp16, $3  }
0x155: {  	_ =	sdelay $0x1  }
0x156: {  	s29 =	smov.u32 s11  }
0x157: {  	s24 =	smov.u32 s9;
	s23 =	smov.u32 s17;
	s25 =	smov.u32 s0  }
.LBB2_11:
.Ltmp17:
0x158: {  	(pc) =	sbr.rel .LBB2_18-.Ltmp17, $3  }
0x159: {  	_ =	sdelay $0x1  }
0x15a: {  	s29 =	smov.u32 s7;
	s10 =	smov.u32 s11  }
0x15b: {  	s28 =	smov.u32 s8;
	s24 =	smov.u32 s9;
	s23 =	smov.u32 s17  }
.LBB2_13:
.Ltmp18:
0x15c: {  	(pc) =	sbr.rel .LBB2_18-.Ltmp18, $4  }
0x15d: {  	_ = 	snop  }
0x15e: {  	s29 =	smov.u32 s10  }
0x15f: {  	s30 =	smov.u32 s11;
	s10 =	smov.u32 s7;
	s24 =	smov.u32 s9  }
0x160: {  	s31 =	smov.u32 s8;
	s23 =	smov.u32 s17;
	s28 =	smov.u32 s5;
	v12 =	vmov v9  }
.LBB2_15:
.Ltmp19:
0x161: {  	(pc) =	sbr.rel .LBB2_18-.Ltmp19, $3  }
0x162: {  	_ =	sdelay $0x1  }
0x163: {  	s30 =	smov.u32 s7;
	s15 =	smov.u32 s8  }
0x164: {  	s24 =	smov.u32 s9;
	s31 =	smov.u32 s5;
	s23 =	smov.u32 s17  }
.LBB2_22:
0x165: {  	_ =	sfence.sel $0x180000  }
0x166: {  	[bflag:$0x0] =	sbarrier.arrive $0xFFFF  }
0x167: {  	_ =	strace $0x90000047  }
0x168: {  	s0 =	stileid.u32;
	[bflag:$0x2] =	sbarrier.arrive $0xFFFF  }
0x169: {  	p0 =	sne.s32 s0, $0x0;
	s0 =	rddreg [dreg:$0x1]  }
0x16a: {  	s0 =	sadd.s32 @!p0 $0x100000, s0  }
0x16b: {  	[sflag:s0] =	ssyncadd.tile.s32 @!p0 $0x1;
	_ =	shalt  }
.Lfunc_end2:
_tile_overlayer_lowered:
.L_overlay_start_2:
0x16c: {  	(tag) =	ssettag $0x2  }
0x16d: {  	s0 =	rddreg [dreg:$0x0];
	s2 =	stileid.u32  }
0x16e: {  	s1 =	rddreg [dreg:$0x1];
	p0 =	sne.s32 s2, $0x0  }
0x16f: {  	s3 =	rddreg [dreg:$0x2];
	[bflag:$0x3] =	sbarrier.arrive $0xFFFF;
	s2 =	simm.s32 @!p0 $0x1C02  }
0x170: {  	[timem:s3], [sflag:s2] =	dma.local @!p0 [hbm:s0], s1  }
0x171: {  	s0 =	simm.s32 @!p0 $0x2  }
0x172: {  	_ =	swait.ge @!p0 [sflag:s0], s1  }
0x173: {  	s1 =	ssub.s32 @!p0 $0x0, s1;
	[sflag:s0] =	ssyncset.done @!p0 $0x0  }
0x174: {  	[sflag:s0] =	ssyncadd.s32 @!p0 s1  }
0x175: {  	[bflag:$0x3] =	sbarrier.arrive $0xFFFF  }
0x176: {  	_ =	shalt  }

</sc_bundles>
